<compile_context>
chip_gen: v7x
topology: tpu7x:2x2x1
jax: 0.10.2.dev20260603
libtpu: 0.0.44.dev20260713+nightly
codegen_flags: <defaults>
</compile_context>

<pallas_src>
import functools

import jax
import jax.numpy as jnp
from jax import lax
from jax.experimental import pallas as pl
from jax.experimental.pallas import tpu as pltpu
from jax.experimental.pallas import tpu_sc as plsc

_N = 10000
_E = 320000
_D_IN = 128
_D_HID = 16
_NCLS = 7

_NP = 10048
_PR = _NP * 16 // 128

_NC = 2
_NS = 16
_NW = _NC * _NS
_NCHUNK = 80
_CH = _E // _NW // _NCHUNK
_RPT = _NP // _NS

_MESH = plsc.VectorSubcoreMesh(
    core_axis_name="c", subcore_axis_name="s", num_cores=_NC, num_subcores=_NS
)
_SC_PARAMS = pltpu.CompilerParams(use_tc_tiling_on_sc=False)


def _deg_kernel(edges_hbm, ones_hbm, zeros_hbm, out_hbm, dst_v, ones_v, acc_sh, sem):
    c = lax.axis_index("c")
    s = lax.axis_index("s")
    pltpu.sync_copy(zeros_hbm, acc_sh.at[pl.ds(s * _RPT, _RPT)])
    pltpu.sync_copy(edges_hbm.at[1, c, s], dst_v)
    pltpu.sync_copy(ones_hbm, ones_v)
    plsc.subcore_barrier()

    def body(j, carry):
        pltpu.async_copy(ones_v, acc_sh.at[dst_v.at[j]], sem, add=True)
        return carry

    lax.fori_loop(0, _NCHUNK, body, 0)

    def drain(j, carry):
        pltpu.make_async_copy(ones_v, acc_sh.at[dst_v.at[0]], sem).wait()
        return carry

    lax.fori_loop(0, _NCHUNK, drain, 0)
    plsc.subcore_barrier()
    pltpu.sync_copy(
        acc_sh.at[pl.ds(s * _RPT, _RPT)], out_hbm.at[c, pl.ds(s * _RPT, _RPT)]
    )


def _make_deg_pass():
    return pl.kernel(
        _deg_kernel,
        out_type=jax.ShapeDtypeStruct((_NC, _NP, 16), jnp.float32),
        mesh=_MESH,
        compiler_params=_SC_PARAMS,
        scratch_types=[
            pltpu.VMEM((_NCHUNK, _CH), jnp.int32),
            pltpu.VMEM((_CH, 16), jnp.float32),
            pltpu.VMEM_SHARED((_NP, 16), jnp.float32),
            pltpu.SemaphoreType.DMA,
        ],
    )


def _edge_kernel(
    table_hbm,
    edges_hbm,
    zeros_hbm,
    out_hbm,
    src_v,
    dst_v,
    buf0,
    buf1,
    buf2,
    buf3,
    acc_sh,
    gsem0,
    gsem1,
    gsem2,
    gsem3,
    ssem0,
    ssem1,
    ssem2,
    ssem3,
):
    c = lax.axis_index("c")
    s = lax.axis_index("s")
    pltpu.sync_copy(zeros_hbm, acc_sh.at[pl.ds(s * _RPT, _RPT)])
    pltpu.sync_copy(edges_hbm.at[0, c, s], src_v)
    pltpu.sync_copy(edges_hbm.at[1, c, s], dst_v)
    plsc.subcore_barrier()

    bufs = [buf0, buf1, buf2, buf3]
    gsems = [gsem0, gsem1, gsem2, gsem3]
    ssems = [ssem0, ssem1, ssem2, ssem3]

    for b in range(3):
        pltpu.async_copy(table_hbm.at[src_v.at[b]], bufs[b], gsems[b])

    def body(g, carry):
        for b in range(4):
            j = 4 * g + b
            bn = (b + 3) % 4
            jn = j + 3
            pltpu.make_async_copy(table_hbm.at[src_v.at[j]], bufs[b], gsems[b]).wait()
            pltpu.async_copy(bufs[b], acc_sh.at[dst_v.at[j]], ssems[b], add=True)
            if b == 0:

                @pl.when(g > 0)
                def _():
                    pltpu.make_async_copy(
                        bufs[bn], acc_sh.at[dst_v.at[0]], ssems[bn]
                    ).wait()

                pltpu.async_copy(table_hbm.at[src_v.at[jn]], bufs[bn], gsems[bn])
            else:

                @pl.when(g < _NCHUNK // 4 - 1)
                def _():
                    pltpu.make_async_copy(
                        bufs[bn], acc_sh.at[dst_v.at[0]], ssems[bn]
                    ).wait()
                    pltpu.async_copy(table_hbm.at[src_v.at[jn]], bufs[bn], gsems[bn])

        return carry

    lax.fori_loop(0, _NCHUNK // 4, body, 0)
    for b in range(4):
        pltpu.make_async_copy(bufs[b], acc_sh.at[dst_v.at[0]], ssems[b]).wait()
    plsc.subcore_barrier()
    pltpu.sync_copy(
        acc_sh.at[pl.ds(s * _RPT, _RPT)], out_hbm.at[c, pl.ds(s * _RPT, _RPT)]
    )


def _make_edge_pass():
    return pl.kernel(
        _edge_kernel,
        out_type=jax.ShapeDtypeStruct((_NC, _NP, 16), jnp.float32),
        mesh=_MESH,
        compiler_params=_SC_PARAMS,
        scratch_types=[
            pltpu.VMEM((_NCHUNK, _CH), jnp.int32),
            pltpu.VMEM((_NCHUNK, _CH), jnp.int32),
            pltpu.VMEM((_CH, 16), jnp.float32),
            pltpu.VMEM((_CH, 16), jnp.float32),
            pltpu.VMEM((_CH, 16), jnp.float32),
            pltpu.VMEM((_CH, 16), jnp.float32),
            pltpu.VMEM_SHARED((_NP, 16), jnp.float32),
            pltpu.SemaphoreType.DMA,
            pltpu.SemaphoreType.DMA,
            pltpu.SemaphoreType.DMA,
            pltpu.SemaphoreType.DMA,
            pltpu.SemaphoreType.DMA,
            pltpu.SemaphoreType.DMA,
            pltpu.SemaphoreType.DMA,
            pltpu.SemaphoreType.DMA,
        ],
    )


def _dinv_packed(deg_ref):
    return lax.rsqrt(deg_ref[0] + deg_ref[1] + 1.0)


def _k1_body(xp_ref, deg_ref, bd1_ref, h1p_ref):
    h = jnp.dot(xp_ref[...], bd1_ref[...], preferred_element_type=jnp.float32)
    h1p_ref[...] = _dinv_packed(deg_ref) * h


def _k2_body(s1_ref, h1p_ref, deg_ref, b1_ref, bd2_ref, h2p_ref):
    dinv = _dinv_packed(deg_ref)
    out1 = jnp.maximum(dinv * (s1_ref[0] + s1_ref[1] + h1p_ref[...]) + b1_ref[...], 0.0)
    h2p_ref[...] = dinv * jnp.dot(
        out1, bd2_ref[...], preferred_element_type=jnp.float32
    )


def _k3_body(s2_ref, h2p_ref, deg_ref, b2_ref, gm_ref, gs_ref, out_ref):
    dinv = _dinv_packed(deg_ref)
    logits = dinv * (s2_ref[0] + s2_ref[1] + h2p_ref[...]) + b2_ref[...]
    mu = jnp.dot(logits, gm_ref[...], preferred_element_type=jnp.float32)
    z = logits - mu
    e = jnp.exp(z)
    ssum = jnp.dot(e, gs_ref[...], preferred_element_type=jnp.float32)
    out_ref[...] = z - jnp.log(ssum)


def _full_spec(shape):
    return pl.BlockSpec(shape, lambda: tuple(0 for _ in shape))


def kernel(x, edge_index, W1, b1, W2, b2):
    edges5 = edge_index.reshape(2, _NC, _NS, _NCHUNK, _CH)

    w2_p = jnp.zeros((_D_HID, 16), jnp.float32).at[:, :_NCLS].set(W2)
    bd2 = jnp.kron(jnp.eye(8, dtype=jnp.float32), w2_p)
    b1_row = jnp.tile(b1, 8).reshape(1, 128)
    b2_row = jnp.tile(
        jnp.zeros((16,), jnp.float32).at[:_NCLS].set(b2), 8
    ).reshape(1, 128)
    vblk = jnp.zeros((16, 16), jnp.float32).at[:_NCLS, :].set(1.0)
    gs = jnp.kron(jnp.eye(8, dtype=jnp.float32), vblk)
    gm = gs / jnp.float32(_NCLS)

    ones_rows = jnp.ones((_CH, 16), jnp.float32)
    zeros16 = jnp.zeros((_RPT, 16), jnp.float32)

    deg16 = _make_deg_pass()(edges5, ones_rows, zeros16)
    deg_p = deg16.reshape(_NC, _PR, 128)

    bd1 = jnp.kron(jnp.eye(8, dtype=jnp.float32), W1)
    x_p = jnp.zeros((_PR, 8 * _D_IN), jnp.float32).at[: _N // 8].set(
        x.reshape(_N // 8, 8 * _D_IN)
    )

    h1p = pl.pallas_call(
        _k1_body,
        in_specs=[
            _full_spec((_PR, 8 * _D_IN)),
            _full_spec((_NC, _PR, 128)),
            _full_spec((8 * _D_IN, 128)),
        ],
        out_specs=_full_spec((_PR, 128)),
        out_shape=jax.ShapeDtypeStruct((_PR, 128), jnp.float32),
    )(x_p, deg_p, bd1)

    s1 = _make_edge_pass()(h1p.reshape(_NP, 16), edges5, zeros16)

    h2p = pl.pallas_call(
        _k2_body,
        in_specs=[
            _full_spec((_NC, _PR, 128)),
            _full_spec((_PR, 128)),
            _full_spec((_NC, _PR, 128)),
            _full_spec((1, 128)),
            _full_spec((128, 128)),
        ],
        out_specs=_full_spec((_PR, 128)),
        out_shape=jax.ShapeDtypeStruct((_PR, 128), jnp.float32),
    )(s1.reshape(_NC, _PR, 128), h1p, deg_p, b1_row, bd2)

    s2 = _make_edge_pass()(h2p.reshape(_NP, 16), edges5, zeros16)

    outp = pl.pallas_call(
        _k3_body,
        in_specs=[
            _full_spec((_NC, _PR, 128)),
            _full_spec((_PR, 128)),
            _full_spec((_NC, _PR, 128)),
            _full_spec((1, 128)),
            _full_spec((128, 128)),
            _full_spec((128, 128)),
        ],
        out_specs=_full_spec((_PR, 128)),
        out_shape=jax.ShapeDtypeStruct((_PR, 128), jnp.float32),
    )(s2.reshape(_NC, _PR, 128), h2p, deg_p, b2_row, gm, gs)

    return outp.reshape(_NP, 16)[:_N, :_NCLS]

# --- scband reference (transcript-rebuilt; emitter-appended) ---
"""Pipeline reference for scband-gnn-76862734730017 (READ-ONLY COPY).

The authoritative reference and input builder live on the scoring server;
editing this copy changes nothing except your own understanding.
"""

import jax, jax.numpy as jnp
import numpy as np

N = 10000
E = 320000
D_IN = 128
D_HID = 16
N_CLS = 7


def setup_inputs(seed: int = 0) -> dict:
    key = jax.random.key(seed)
    k1, k2, k3, k4 = jax.random.split(key, 4)
    x = jax.random.normal(k1, (N, D_IN), dtype=jnp.float32)
    edge_index = jax.random.randint(k2, (2, E), 0, N, dtype=jnp.int32)
    W1 = jax.random.normal(k3, (D_IN, D_HID), dtype=jnp.float32) * (1.0 / np.sqrt(D_IN))
    b1 = jnp.zeros((D_HID,), dtype=jnp.float32)
    W2 = jax.random.normal(k4, (D_HID, N_CLS), dtype=jnp.float32) * (1.0 / np.sqrt(D_HID))
    b2 = jnp.zeros((N_CLS,), dtype=jnp.float32)
    return {"x": x, "edge_index": edge_index, "W1": W1, "b1": b1, "W2": W2, "b2": b2}


def _gcn_conv(x, src, dst, W, b):
    # GCNConv with symmetric normalization (self-loops already appended to src/dst)
    deg = jnp.zeros((N,), dtype=x.dtype).at[dst].add(1.0)
    dinv = jnp.where(deg > 0, 1.0 / jnp.sqrt(deg), 0.0)
    norm = dinv[src] * dinv[dst]
    h = x @ W
    msg = jnp.take(h, src, axis=0) * norm[:, None]
    out = jnp.zeros((N, h.shape[1]), dtype=x.dtype).at[dst].add(msg)
    return out + b


def reference(x, edge_index, W1, b1, W2, b2):
    loop = jnp.arange(N, dtype=edge_index.dtype)
    src = jnp.concatenate([edge_index[0], loop])
    dst = jnp.concatenate([edge_index[1], loop])
    h = _gcn_conv(x, src, dst, W1, b1)
    h = jax.nn.relu(h)
    # F.dropout with training=False (eval) is identity
    h = _gcn_conv(h, src, dst, W2, b2)
    return jax.nn.log_softmax(h, axis=1)

if __name__ == "__main__":
    import jax
    _d = setup_inputs()
    print(jax.jit(kernel)(*tuple(_d.values())))

</pallas_src>

<mosaic_0001>
#map = affine_map<(d0, d1) -> (0, 0, 0, 0, 0)>
#map1 = affine_map<(d0, d1) -> (0, 0)>
#map2 = affine_map<(d0, d1) -> (0, 0, 0)>
module attributes {stable_mosaic.version = 14 : i64} {
  func.func @_deg_kernel(%arg0: i32, %arg1: i32, %arg2: memref<2x2x16x80x125xi32, #tpu.memory_space<hbm>>, %arg3: memref<125x16xf32, #tpu.memory_space<hbm>>, %arg4: memref<628x16xf32, #tpu.memory_space<hbm>>, %arg5: memref<2x10048x16xf32, #tpu.memory_space<hbm>>, %arg6: memref<80x125xi32, #tpu.memory_space<vmem>>, %arg7: memref<125x16xf32, #tpu.memory_space<vmem>>, %arg8: memref<10048x16xf32, #tpu.memory_space<vmem_shared>>, %arg9: memref<!tpu.dma_semaphore, #tpu.memory_space<semaphore_mem>>) attributes {dimension_semantics = [#tpu.dimension_semantics<core_parallel>, #tpu.dimension_semantics<subcore_parallel>], iteration_bounds = array<i64: 2, 16>, scalar_prefetch = 0 : i64, scratch_operands = 4 : i64, tpu.core_type = #tpu.core_type<sc_vector_subcore>, window_params = [{transform_indices = #map}, {transform_indices = #map1}, {transform_indices = #map1}, {transform_indices = #map2}]} {
    %mul3A = arith.constant 628 : i32
    %mul3A_0 = arith.muli %arg1, %mul3A : i32
    "tpu.region"() ({
      %run_scoped3A_17 = tpu.sem_alloc : memref<!tpu.dma_semaphore, #tpu.memory_space<semaphore_mem>>
      %dma_start3A = arith.constant 0 : i32
      %dma_start3A_18 = tpu.memref_slice %arg8[%mul3A_0, %dma_start3A] : memref<10048x16xf32, #tpu.memory_space<vmem_shared>> -> memref<628x16xf32, #tpu.memory_space<vmem_shared>>
      tpu.enqueue_dma source(%arg4 : memref<628x16xf32, #tpu.memory_space<hbm>>) target(%dma_start3A_18 : memref<628x16xf32, #tpu.memory_space<vmem_shared>>) target_semaphore(%run_scoped3A_17 : memref<!tpu.dma_semaphore, #tpu.memory_space<semaphore_mem>>)
      %dma_wait3A = arith.constant 0 : i32
      %dma_wait3A_19 = tpu.memref_slice %arg8[%mul3A_0, %dma_wait3A] : memref<10048x16xf32, #tpu.memory_space<vmem_shared>> -> memref<628x16xf32, #tpu.memory_space<vmem_shared>>
      tpu.wait_dma2 semaphore(%run_scoped3A_17 : memref<!tpu.dma_semaphore, #tpu.memory_space<semaphore_mem>>) src(%arg4 : memref<628x16xf32, #tpu.memory_space<hbm>>) dst(%dma_wait3A_19 : memref<628x16xf32, #tpu.memory_space<vmem_shared>>)
      tpu.yield
    }) : () -> ()
    %run_scoped3A = arith.constant 1 : i32
    "tpu.region"() ({
      %run_scoped3A_17 = tpu.sem_alloc : memref<!tpu.dma_semaphore, #tpu.memory_space<semaphore_mem>>
      %dma_start3A = arith.constant 0 : i32
      %dma_start3A_18 = arith.constant 0 : i32
      %dma_start3A_19 = tpu.memref_slice %arg2[%run_scoped3A, %arg0, %arg1, %dma_start3A, %dma_start3A_18] : memref<2x2x16x80x125xi32, #tpu.memory_space<hbm>> -> memref<1x1x1x80x125xi32, #tpu.memory_space<hbm>>
      %dma_start3A_20 = tpu.memref_squeeze %dma_start3A_19 : memref<1x1x1x80x125xi32, #tpu.memory_space<hbm>> -> memref<80x125xi32, #tpu.memory_space<hbm>>
      %dma_start3A_21 = arith.constant 0 : i32
      %dma_start3A_22 = arith.constant 0 : i32
      %dma_start3A_23 = tpu.memref_slice %arg2[%run_scoped3A, %arg0, %arg1, %dma_start3A_21, %dma_start3A_22] : memref<2x2x16x80x125xi32, #tpu.memory_space<hbm>> -> memref<1x1x1x80x125xi32, #tpu.memory_space<hbm>>
      %dma_start3A_24 = tpu.memref_squeeze %dma_start3A_23 : memref<1x1x1x80x125xi32, #tpu.memory_space<hbm>> -> memref<80x125xi32, #tpu.memory_space<hbm>>
      tpu.enqueue_dma source(%dma_start3A_24 : memref<80x125xi32, #tpu.memory_space<hbm>>) target(%arg6 : memref<80x125xi32, #tpu.memory_space<vmem>>) target_semaphore(%run_scoped3A_17 : memref<!tpu.dma_semaphore, #tpu.memory_space<semaphore_mem>>)
      %dma_wait3A = arith.constant 0 : i32
      %dma_wait3A_25 = arith.constant 0 : i32
      %dma_wait3A_26 = tpu.memref_slice %arg2[%run_scoped3A, %arg0, %arg1, %dma_wait3A, %dma_wait3A_25] : memref<2x2x16x80x125xi32, #tpu.memory_space<hbm>> -> memref<1x1x1x80x125xi32, #tpu.memory_space<hbm>>
      %dma_wait3A_27 = tpu.memref_squeeze %dma_wait3A_26 : memref<1x1x1x80x125xi32, #tpu.memory_space<hbm>> -> memref<80x125xi32, #tpu.memory_space<hbm>>
      %dma_wait3A_28 = arith.constant 0 : i32
      %dma_wait3A_29 = arith.constant 0 : i32
      %dma_wait3A_30 = tpu.memref_slice %arg2[%run_scoped3A, %arg0, %arg1, %dma_wait3A_28, %dma_wait3A_29] : memref<2x2x16x80x125xi32, #tpu.memory_space<hbm>> -> memref<1x1x1x80x125xi32, #tpu.memory_space<hbm>>
      %dma_wait3A_31 = tpu.memref_squeeze %dma_wait3A_30 : memref<1x1x1x80x125xi32, #tpu.memory_space<hbm>> -> memref<80x125xi32, #tpu.memory_space<hbm>>
      tpu.wait_dma2 semaphore(%run_scoped3A_17 : memref<!tpu.dma_semaphore, #tpu.memory_space<semaphore_mem>>) src(%dma_wait3A_31 : memref<80x125xi32, #tpu.memory_space<hbm>>) dst(%arg6 : memref<80x125xi32, #tpu.memory_space<vmem>>)
      tpu.yield
    }) : () -> ()
    "tpu.region"() ({
      %run_scoped3A_17 = tpu.sem_alloc : memref<!tpu.dma_semaphore, #tpu.memory_space<semaphore_mem>>
      tpu.enqueue_dma source(%arg3 : memref<125x16xf32, #tpu.memory_space<hbm>>) target(%arg7 : memref<125x16xf32, #tpu.memory_space<vmem>>) target_semaphore(%run_scoped3A_17 : memref<!tpu.dma_semaphore, #tpu.memory_space<semaphore_mem>>)
      tpu.wait_dma2 semaphore(%run_scoped3A_17 : memref<!tpu.dma_semaphore, #tpu.memory_space<semaphore_mem>>) src(%arg3 : memref<125x16xf32, #tpu.memory_space<hbm>>) dst(%arg7 : memref<125x16xf32, #tpu.memory_space<vmem>>)
      tpu.yield
    }) : () -> ()
    %barrier3A = arith.constant 0 : index
    tpu.barrier barrier_id(%barrier3A)
    %scan3A = arith.constant 0 : i32
    %scan3A_1 = arith.constant 0 : i32
    %scan3A_2 = arith.constant 80 : i32
    %scan3A_3 = arith.addi %scan3A_1, %scan3A_2 : i32
    %scan3A_4 = arith.constant 1 : i32
    scf.for %scan3A_17 = %scan3A_1 to %scan3A_3 step %scan3A_4  : i32 {
      %dma_start3A = arith.constant 0 : i32
      %dma_start3A_18 = tpu.memref_slice %arg6[%scan3A_17, %dma_start3A] : memref<80x125xi32, #tpu.memory_space<vmem>> -> memref<1x125xi32, #tpu.memory_space<vmem>>
      %dma_start3A_19 = tpu.memref_squeeze %dma_start3A_18 : memref<1x125xi32, #tpu.memory_space<vmem>> -> memref<125xi32, #tpu.memory_space<vmem>>
      %dma_start3A_20 = arith.constant 0 : i32
      %dma_start3A_21 = arith.constant 0 : i32
      %dma_start3A_22 = tpu.memref_slice %arg8[%dma_start3A_20, %dma_start3A_21] : memref<10048x16xf32, #tpu.memory_space<vmem_shared>> -> memref<10048x16xf32, #tpu.memory_space<vmem_shared>>
      tpu.enqueue_indirect_dma source(%arg7 : memref<125x16xf32, #tpu.memory_space<vmem>>) target(%dma_start3A_22 : memref<10048x16xf32, #tpu.memory_space<vmem_shared>>) offsets(%dma_start3A_19 : memref<125xi32, #tpu.memory_space<vmem>>) semaphore(%arg9 : memref<!tpu.dma_semaphore, #tpu.memory_space<semaphore_mem>>) {add = true}
    }
    %scan3A_5 = arith.constant 80 : i32
    %scan3A_6 = arith.constant 0 : i32
    %scan3A_7 = arith.constant 0 : i32
    %scan3A_8 = arith.constant 80 : i32
    %scan3A_9 = arith.addi %scan3A_7, %scan3A_8 : i32
    %scan3A_10 = arith.constant 1 : i32
    scf.for %scan3A_17 = %scan3A_7 to %scan3A_9 step %scan3A_10  : i32 {
      %dma_wait3A = arith.constant 0 : i32
      %dma_wait3A_18 = arith.constant 0 : i32
      %dma_wait3A_19 = tpu.memref_slice %arg6[%dma_wait3A, %dma_wait3A_18] : memref<80x125xi32, #tpu.memory_space<vmem>> -> memref<1x125xi32, #tpu.memory_space<vmem>>
      %dma_wait3A_20 = tpu.memref_squeeze %dma_wait3A_19 : memref<1x125xi32, #tpu.memory_space<vmem>> -> memref<125xi32, #tpu.memory_space<vmem>>
      %dma_wait3A_21 = arith.constant 0 : i32
      %dma_wait3A_22 = arith.constant 0 : i32
      %dma_wait3A_23 = tpu.memref_slice %arg8[%dma_wait3A_21, %dma_wait3A_22] : memref<10048x16xf32, #tpu.memory_space<vmem_shared>> -> memref<10048x16xf32, #tpu.memory_space<vmem_shared>>
      tpu.wait_indirect_dma semaphore(%arg9 : memref<!tpu.dma_semaphore, #tpu.memory_space<semaphore_mem>>) src(%arg7 : memref<125x16xf32, #tpu.memory_space<vmem>>) dst(%dma_wait3A_23 : memref<10048x16xf32, #tpu.memory_space<vmem_shared>>)
    }
    %scan3A_11 = arith.constant 80 : i32
    %barrier3A_12 = arith.constant 0 : index
    tpu.barrier barrier_id(%barrier3A_12)
    %mul3A_13 = arith.constant 628 : i32
    %mul3A_14 = arith.muli %arg1, %mul3A_13 : i32
    %mul3A_15 = arith.constant 628 : i32
    %mul3A_16 = arith.muli %arg1, %mul3A_15 : i32
    "tpu.region"() ({
      %run_scoped3A_17 = tpu.sem_alloc : memref<!tpu.dma_semaphore, #tpu.memory_space<semaphore_mem>>
      %dma_start3A = arith.constant 0 : i32
      %dma_start3A_18 = tpu.memref_slice %arg5[%arg0, %mul3A_16, %dma_start3A] : memref<2x10048x16xf32, #tpu.memory_space<hbm>> -> memref<1x628x16xf32, #tpu.memory_space<hbm>>
      %dma_start3A_19 = tpu.memref_squeeze %dma_start3A_18 : memref<1x628x16xf32, #tpu.memory_space<hbm>> -> memref<628x16xf32, #tpu.memory_space<hbm>>
      %dma_start3A_20 = arith.constant 0 : i32
      %dma_start3A_21 = tpu.memref_slice %arg8[%mul3A_14, %dma_start3A_20] : memref<10048x16xf32, #tpu.memory_space<vmem_shared>> -> memref<628x16xf32, #tpu.memory_space<vmem_shared>>
      tpu.enqueue_dma source(%dma_start3A_21 : memref<628x16xf32, #tpu.memory_space<vmem_shared>>) target(%dma_start3A_19 : memref<628x16xf32, #tpu.memory_space<hbm>>) target_semaphore(%run_scoped3A_17 : memref<!tpu.dma_semaphore, #tpu.memory_space<semaphore_mem>>)
      %dma_wait3A = arith.constant 0 : i32
      %dma_wait3A_22 = tpu.memref_slice %arg5[%arg0, %mul3A_16, %dma_wait3A] : memref<2x10048x16xf32, #tpu.memory_space<hbm>> -> memref<1x628x16xf32, #tpu.memory_space<hbm>>
      %dma_wait3A_23 = tpu.memref_squeeze %dma_wait3A_22 : memref<1x628x16xf32, #tpu.memory_space<hbm>> -> memref<628x16xf32, #tpu.memory_space<hbm>>
      %dma_wait3A_24 = arith.constant 0 : i32
      %dma_wait3A_25 = tpu.memref_slice %arg8[%mul3A_14, %dma_wait3A_24] : memref<10048x16xf32, #tpu.memory_space<vmem_shared>> -> memref<628x16xf32, #tpu.memory_space<vmem_shared>>
      tpu.wait_dma2 semaphore(%run_scoped3A_17 : memref<!tpu.dma_semaphore, #tpu.memory_space<semaphore_mem>>) src(%dma_wait3A_25 : memref<628x16xf32, #tpu.memory_space<vmem_shared>>) dst(%dma_wait3A_23 : memref<628x16xf32, #tpu.memory_space<hbm>>)
      tpu.yield
    }) : () -> ()
    return
  }
}

#map = affine_map<(d0, d1) -> (0, 0)>
#map1 = affine_map<(d0, d1) -> (0, 0, 0, 0, 0)>
#map2 = affine_map<(d0, d1) -> (0, 0, 0)>
module attributes {stable_mosaic.version = 14 : i64} {
  func.func @_edge_kernel(%arg0: i32, %arg1: i32, %arg2: memref<10048x16xf32, #tpu.memory_space<hbm>>, %arg3: memref<2x2x16x80x125xi32, #tpu.memory_space<hbm>>, %arg4: memref<628x16xf32, #tpu.memory_space<hbm>>, %arg5: memref<2x10048x16xf32, #tpu.memory_space<hbm>>, %arg6: memref<80x125xi32, #tpu.memory_space<vmem>>, %arg7: memref<80x125xi32, #tpu.memory_space<vmem>>, %arg8: memref<125x16xf32, #tpu.memory_space<vmem>>, %arg9: memref<125x16xf32, #tpu.memory_space<vmem>>, %arg10: memref<125x16xf32, #tpu.memory_space<vmem>>, %arg11: memref<125x16xf32, #tpu.memory_space<vmem>>, %arg12: memref<10048x16xf32, #tpu.memory_space<vmem_shared>>, %arg13: memref<!tpu.dma_semaphore, #tpu.memory_space<semaphore_mem>>, %arg14: memref<!tpu.dma_semaphore, #tpu.memory_space<semaphore_mem>>, %arg15: memref<!tpu.dma_semaphore, #tpu.memory_space<semaphore_mem>>, %arg16: memref<!tpu.dma_semaphore, #tpu.memory_space<semaphore_mem>>, %arg17: memref<!tpu.dma_semaphore, #tpu.memory_space<semaphore_mem>>, %arg18: memref<!tpu.dma_semaphore, #tpu.memory_space<semaphore_mem>>, %arg19: memref<!tpu.dma_semaphore, #tpu.memory_space<semaphore_mem>>, %arg20: memref<!tpu.dma_semaphore, #tpu.memory_space<semaphore_mem>>) attributes {dimension_semantics = [#tpu.dimension_semantics<core_parallel>, #tpu.dimension_semantics<subcore_parallel>], iteration_bounds = array<i64: 2, 16>, scalar_prefetch = 0 : i64, scratch_operands = 15 : i64, tpu.core_type = #tpu.core_type<sc_vector_subcore>, window_params = [{transform_indices = #map}, {transform_indices = #map1}, {transform_indices = #map}, {transform_indices = #map2}]} {
    %mul3A = arith.constant 628 : i32
    %mul3A_0 = arith.muli %arg1, %mul3A : i32
    "tpu.region"() ({
      %run_scoped3A_59 = tpu.sem_alloc : memref<!tpu.dma_semaphore, #tpu.memory_space<semaphore_mem>>
      %dma_start3A_60 = arith.constant 0 : i32
      %dma_start3A_61 = tpu.memref_slice %arg12[%mul3A_0, %dma_start3A_60] : memref<10048x16xf32, #tpu.memory_space<vmem_shared>> -> memref<628x16xf32, #tpu.memory_space<vmem_shared>>
      tpu.enqueue_dma source(%arg4 : memref<628x16xf32, #tpu.memory_space<hbm>>) target(%dma_start3A_61 : memref<628x16xf32, #tpu.memory_space<vmem_shared>>) target_semaphore(%run_scoped3A_59 : memref<!tpu.dma_semaphore, #tpu.memory_space<semaphore_mem>>)
      %dma_wait3A_62 = arith.constant 0 : i32
      %dma_wait3A_63 = tpu.memref_slice %arg12[%mul3A_0, %dma_wait3A_62] : memref<10048x16xf32, #tpu.memory_space<vmem_shared>> -> memref<628x16xf32, #tpu.memory_space<vmem_shared>>
      tpu.wait_dma2 semaphore(%run_scoped3A_59 : memref<!tpu.dma_semaphore, #tpu.memory_space<semaphore_mem>>) src(%arg4 : memref<628x16xf32, #tpu.memory_space<hbm>>) dst(%dma_wait3A_63 : memref<628x16xf32, #tpu.memory_space<vmem_shared>>)
      tpu.yield
    }) : () -> ()
    %run_scoped3A = arith.constant 0 : i32
    "tpu.region"() ({
      %run_scoped3A_59 = tpu.sem_alloc : memref<!tpu.dma_semaphore, #tpu.memory_space<semaphore_mem>>
      %dma_start3A_60 = arith.constant 0 : i32
      %dma_start3A_61 = arith.constant 0 : i32
      %dma_start3A_62 = tpu.memref_slice %arg3[%run_scoped3A, %arg0, %arg1, %dma_start3A_60, %dma_start3A_61] : memref<2x2x16x80x125xi32, #tpu.memory_space<hbm>> -> memref<1x1x1x80x125xi32, #tpu.memory_space<hbm>>
      %dma_start3A_63 = tpu.memref_squeeze %dma_start3A_62 : memref<1x1x1x80x125xi32, #tpu.memory_space<hbm>> -> memref<80x125xi32, #tpu.memory_space<hbm>>
      %dma_start3A_64 = arith.constant 0 : i32
      %dma_start3A_65 = arith.constant 0 : i32
      %dma_start3A_66 = tpu.memref_slice %arg3[%run_scoped3A, %arg0, %arg1, %dma_start3A_64, %dma_start3A_65] : memref<2x2x16x80x125xi32, #tpu.memory_space<hbm>> -> memref<1x1x1x80x125xi32, #tpu.memory_space<hbm>>
      %dma_start3A_67 = tpu.memref_squeeze %dma_start3A_66 : memref<1x1x1x80x125xi32, #tpu.memory_space<hbm>> -> memref<80x125xi32, #tpu.memory_space<hbm>>
      tpu.enqueue_dma source(%dma_start3A_67 : memref<80x125xi32, #tpu.memory_space<hbm>>) target(%arg6 : memref<80x125xi32, #tpu.memory_space<vmem>>) target_semaphore(%run_scoped3A_59 : memref<!tpu.dma_semaphore, #tpu.memory_space<semaphore_mem>>)
      %dma_wait3A_68 = arith.constant 0 : i32
      %dma_wait3A_69 = arith.constant 0 : i32
      %dma_wait3A_70 = tpu.memref_slice %arg3[%run_scoped3A, %arg0, %arg1, %dma_wait3A_68, %dma_wait3A_69] : memref<2x2x16x80x125xi32, #tpu.memory_space<hbm>> -> memref<1x1x1x80x125xi32, #tpu.memory_space<hbm>>
      %dma_wait3A_71 = tpu.memref_squeeze %dma_wait3A_70 : memref<1x1x1x80x125xi32, #tpu.memory_space<hbm>> -> memref<80x125xi32, #tpu.memory_space<hbm>>
      %dma_wait3A_72 = arith.constant 0 : i32
      %dma_wait3A_73 = arith.constant 0 : i32
      %dma_wait3A_74 = tpu.memref_slice %arg3[%run_scoped3A, %arg0, %arg1, %dma_wait3A_72, %dma_wait3A_73] : memref<2x2x16x80x125xi32, #tpu.memory_space<hbm>> -> memref<1x1x1x80x125xi32, #tpu.memory_space<hbm>>
      %dma_wait3A_75 = tpu.memref_squeeze %dma_wait3A_74 : memref<1x1x1x80x125xi32, #tpu.memory_space<hbm>> -> memref<80x125xi32, #tpu.memory_space<hbm>>
      tpu.wait_dma2 semaphore(%run_scoped3A_59 : memref<!tpu.dma_semaphore, #tpu.memory_space<semaphore_mem>>) src(%dma_wait3A_75 : memref<80x125xi32, #tpu.memory_space<hbm>>) dst(%arg6 : memref<80x125xi32, #tpu.memory_space<vmem>>)
      tpu.yield
    }) : () -> ()
    %run_scoped3A_1 = arith.constant 1 : i32
    "tpu.region"() ({
      %run_scoped3A_59 = tpu.sem_alloc : memref<!tpu.dma_semaphore, #tpu.memory_space<semaphore_mem>>
      %dma_start3A_60 = arith.constant 0 : i32
      %dma_start3A_61 = arith.constant 0 : i32
      %dma_start3A_62 = tpu.memref_slice %arg3[%run_scoped3A_1, %arg0, %arg1, %dma_start3A_60, %dma_start3A_61] : memref<2x2x16x80x125xi32, #tpu.memory_space<hbm>> -> memref<1x1x1x80x125xi32, #tpu.memory_space<hbm>>
      %dma_start3A_63 = tpu.memref_squeeze %dma_start3A_62 : memref<1x1x1x80x125xi32, #tpu.memory_space<hbm>> -> memref<80x125xi32, #tpu.memory_space<hbm>>
      %dma_start3A_64 = arith.constant 0 : i32
      %dma_start3A_65 = arith.constant 0 : i32
      %dma_start3A_66 = tpu.memref_slice %arg3[%run_scoped3A_1, %arg0, %arg1, %dma_start3A_64, %dma_start3A_65] : memref<2x2x16x80x125xi32, #tpu.memory_space<hbm>> -> memref<1x1x1x80x125xi32, #tpu.memory_space<hbm>>
      %dma_start3A_67 = tpu.memref_squeeze %dma_start3A_66 : memref<1x1x1x80x125xi32, #tpu.memory_space<hbm>> -> memref<80x125xi32, #tpu.memory_space<hbm>>
      tpu.enqueue_dma source(%dma_start3A_67 : memref<80x125xi32, #tpu.memory_space<hbm>>) target(%arg7 : memref<80x125xi32, #tpu.memory_space<vmem>>) target_semaphore(%run_scoped3A_59 : memref<!tpu.dma_semaphore, #tpu.memory_space<semaphore_mem>>)
      %dma_wait3A_68 = arith.constant 0 : i32
      %dma_wait3A_69 = arith.constant 0 : i32
      %dma_wait3A_70 = tpu.memref_slice %arg3[%run_scoped3A_1, %arg0, %arg1, %dma_wait3A_68, %dma_wait3A_69] : memref<2x2x16x80x125xi32, #tpu.memory_space<hbm>> -> memref<1x1x1x80x125xi32, #tpu.memory_space<hbm>>
      %dma_wait3A_71 = tpu.memref_squeeze %dma_wait3A_70 : memref<1x1x1x80x125xi32, #tpu.memory_space<hbm>> -> memref<80x125xi32, #tpu.memory_space<hbm>>
      %dma_wait3A_72 = arith.constant 0 : i32
      %dma_wait3A_73 = arith.constant 0 : i32
      %dma_wait3A_74 = tpu.memref_slice %arg3[%run_scoped3A_1, %arg0, %arg1, %dma_wait3A_72, %dma_wait3A_73] : memref<2x2x16x80x125xi32, #tpu.memory_space<hbm>> -> memref<1x1x1x80x125xi32, #tpu.memory_space<hbm>>
      %dma_wait3A_75 = tpu.memref_squeeze %dma_wait3A_74 : memref<1x1x1x80x125xi32, #tpu.memory_space<hbm>> -> memref<80x125xi32, #tpu.memory_space<hbm>>
      tpu.wait_dma2 semaphore(%run_scoped3A_59 : memref<!tpu.dma_semaphore, #tpu.memory_space<semaphore_mem>>) src(%dma_wait3A_75 : memref<80x125xi32, #tpu.memory_space<hbm>>) dst(%arg7 : memref<80x125xi32, #tpu.memory_space<vmem>>)
      tpu.yield
    }) : () -> ()
    %barrier3A = arith.constant 0 : index
    tpu.barrier barrier_id(%barrier3A)
    %dma_start3A = arith.constant 0 : i32
    %dma_start3A_2 = arith.constant 0 : i32
    %dma_start3A_3 = tpu.memref_slice %arg6[%dma_start3A, %dma_start3A_2] : memref<80x125xi32, #tpu.memory_space<vmem>> -> memref<1x125xi32, #tpu.memory_space<vmem>>
    %dma_start3A_4 = tpu.memref_squeeze %dma_start3A_3 : memref<1x125xi32, #tpu.memory_space<vmem>> -> memref<125xi32, #tpu.memory_space<vmem>>
    %dma_start3A_5 = arith.constant 0 : i32
    %dma_start3A_6 = arith.constant 0 : i32
    %dma_start3A_7 = tpu.memref_slice %arg2[%dma_start3A_5, %dma_start3A_6] : memref<10048x16xf32, #tpu.memory_space<hbm>> -> memref<10048x16xf32, #tpu.memory_space<hbm>>
    tpu.enqueue_indirect_dma source(%dma_start3A_7 : memref<10048x16xf32, #tpu.memory_space<hbm>>) target(%arg8 : memref<125x16xf32, #tpu.memory_space<vmem>>) offsets(%dma_start3A_4 : memref<125xi32, #tpu.memory_space<vmem>>) semaphore(%arg13 : memref<!tpu.dma_semaphore, #tpu.memory_space<semaphore_mem>>)
    %dma_start3A_8 = arith.constant 1 : i32
    %dma_start3A_9 = arith.constant 0 : i32
    %dma_start3A_10 = tpu.memref_slice %arg6[%dma_start3A_8, %dma_start3A_9] : memref<80x125xi32, #tpu.memory_space<vmem>> -> memref<1x125xi32, #tpu.memory_space<vmem>>
    %dma_start3A_11 = tpu.memref_squeeze %dma_start3A_10 : memref<1x125xi32, #tpu.memory_space<vmem>> -> memref<125xi32, #tpu.memory_space<vmem>>
    %dma_start3A_12 = arith.constant 0 : i32
    %dma_start3A_13 = arith.constant 0 : i32
    %dma_start3A_14 = tpu.memref_slice %arg2[%dma_start3A_12, %dma_start3A_13] : memref<10048x16xf32, #tpu.memory_space<hbm>> -> memref<10048x16xf32, #tpu.memory_space<hbm>>
    tpu.enqueue_indirect_dma source(%dma_start3A_14 : memref<10048x16xf32, #tpu.memory_space<hbm>>) target(%arg9 : memref<125x16xf32, #tpu.memory_space<vmem>>) offsets(%dma_start3A_11 : memref<125xi32, #tpu.memory_space<vmem>>) semaphore(%arg14 : memref<!tpu.dma_semaphore, #tpu.memory_space<semaphore_mem>>)
    %dma_start3A_15 = arith.constant 2 : i32
    %dma_start3A_16 = arith.constant 0 : i32
    %dma_start3A_17 = tpu.memref_slice %arg6[%dma_start3A_15, %dma_start3A_16] : memref<80x125xi32, #tpu.memory_space<vmem>> -> memref<1x125xi32, #tpu.memory_space<vmem>>
    %dma_start3A_18 = tpu.memref_squeeze %dma_start3A_17 : memref<1x125xi32, #tpu.memory_space<vmem>> -> memref<125xi32, #tpu.memory_space<vmem>>
    %dma_start3A_19 = arith.constant 0 : i32
    %dma_start3A_20 = arith.constant 0 : i32
    %dma_start3A_21 = tpu.memref_slice %arg2[%dma_start3A_19, %dma_start3A_20] : memref<10048x16xf32, #tpu.memory_space<hbm>> -> memref<10048x16xf32, #tpu.memory_space<hbm>>
    tpu.enqueue_indirect_dma source(%dma_start3A_21 : memref<10048x16xf32, #tpu.memory_space<hbm>>) target(%arg10 : memref<125x16xf32, #tpu.memory_space<vmem>>) offsets(%dma_start3A_18 : memref<125xi32, #tpu.memory_space<vmem>>) semaphore(%arg15 : memref<!tpu.dma_semaphore, #tpu.memory_space<semaphore_mem>>)
    %scan3A = arith.constant 0 : i32
    %scan3A_22 = arith.constant 0 : i32
    %scan3A_23 = arith.constant 20 : i32
    %scan3A_24 = arith.addi %scan3A_22, %scan3A_23 : i32
    %scan3A_25 = arith.constant 1 : i32
    scf.for %scan3A_59 = %scan3A_22 to %scan3A_24 step %scan3A_25  : i32 {
      %mul3A_60 = arith.constant 4 : i32
      %mul3A_61 = arith.muli %mul3A_60, %scan3A_59 : i32
      %add3A = arith.constant 0 : i32
      %add3A_62 = arith.addi %mul3A_61, %add3A : i32
      %add3A_63 = arith.constant 3 : i32
      %add3A_64 = arith.addi %add3A_62, %add3A_63 : i32
      %dma_wait3A_65 = arith.constant 0 : i32
      %dma_wait3A_66 = tpu.memref_slice %arg6[%add3A_62, %dma_wait3A_65] : memref<80x125xi32, #tpu.memory_space<vmem>> -> memref<1x125xi32, #tpu.memory_space<vmem>>
      %dma_wait3A_67 = tpu.memref_squeeze %dma_wait3A_66 : memref<1x125xi32, #tpu.memory_space<vmem>> -> memref<125xi32, #tpu.memory_space<vmem>>
      %dma_wait3A_68 = arith.constant 0 : i32
      %dma_wait3A_69 = arith.constant 0 : i32
      %dma_wait3A_70 = tpu.memref_slice %arg2[%dma_wait3A_68, %dma_wait3A_69] : memref<10048x16xf32, #tpu.memory_space<hbm>> -> memref<10048x16xf32, #tpu.memory_space<hbm>>
      tpu.wait_indirect_dma semaphore(%arg13 : memref<!tpu.dma_semaphore, #tpu.memory_space<semaphore_mem>>) src(%dma_wait3A_70 : memref<10048x16xf32, #tpu.memory_space<hbm>>) dst(%arg8 : memref<125x16xf32, #tpu.memory_space<vmem>>)
      %dma_start3A_71 = arith.constant 0 : i32
      %dma_start3A_72 = tpu.memref_slice %arg7[%add3A_62, %dma_start3A_71] : memref<80x125xi32, #tpu.memory_space<vmem>> -> memref<1x125xi32, #tpu.memory_space<vmem>>
      %dma_start3A_73 = tpu.memref_squeeze %dma_start3A_72 : memref<1x125xi32, #tpu.memory_space<vmem>> -> memref<125xi32, #tpu.memory_space<vmem>>
      %dma_start3A_74 = arith.constant 0 : i32
      %dma_start3A_75 = arith.constant 0 : i32
      %dma_start3A_76 = tpu.memref_slice %arg12[%dma_start3A_74, %dma_start3A_75] : memref<10048x16xf32, #tpu.memory_space<vmem_shared>> -> memref<10048x16xf32, #tpu.memory_space<vmem_shared>>
      tpu.enqueue_indirect_dma source(%arg8 : memref<125x16xf32, #tpu.memory_space<vmem>>) target(%dma_start3A_76 : memref<10048x16xf32, #tpu.memory_space<vmem_shared>>) offsets(%dma_start3A_73 : memref<125xi32, #tpu.memory_space<vmem>>) semaphore(%arg17 : memref<!tpu.dma_semaphore, #tpu.memory_space<semaphore_mem>>) {add = true}
      %gt3A = arith.constant 0 : i32
      %gt3A_77 = arith.cmpi sgt, %scan3A_59, %gt3A : i32
      %convert_element_type3A = arith.extui %gt3A_77 : i1 to i32
      %cond3A = arith.constant 0 : i32
      %cond3A_78 = arith.cmpi ne, %convert_element_type3A, %cond3A : i32
      scf.if %cond3A_78 {
        %dma_wait3A_153 = arith.constant 0 : i32
        %dma_wait3A_154 = arith.constant 0 : i32
        %dma_wait3A_155 = tpu.memref_slice %arg7[%dma_wait3A_153, %dma_wait3A_154] : memref<80x125xi32, #tpu.memory_space<vmem>> -> memref<1x125xi32, #tpu.memory_space<vmem>>
        %dma_wait3A_156 = tpu.memref_squeeze %dma_wait3A_155 : memref<1x125xi32, #tpu.memory_space<vmem>> -> memref<125xi32, #tpu.memory_space<vmem>>
        %dma_wait3A_157 = arith.constant 0 : i32
        %dma_wait3A_158 = arith.constant 0 : i32
        %dma_wait3A_159 = tpu.memref_slice %arg12[%dma_wait3A_157, %dma_wait3A_158] : memref<10048x16xf32, #tpu.memory_space<vmem_shared>> -> memref<10048x16xf32, #tpu.memory_space<vmem_shared>>
        tpu.wait_indirect_dma semaphore(%arg20 : memref<!tpu.dma_semaphore, #tpu.memory_space<semaphore_mem>>) src(%arg11 : memref<125x16xf32, #tpu.memory_space<vmem>>) dst(%dma_wait3A_159 : memref<10048x16xf32, #tpu.memory_space<vmem_shared>>)
      } else {
      }
      %dma_start3A_79 = arith.constant 0 : i32
      %dma_start3A_80 = tpu.memref_slice %arg6[%add3A_64, %dma_start3A_79] : memref<80x125xi32, #tpu.memory_space<vmem>> -> memref<1x125xi32, #tpu.memory_space<vmem>>
      %dma_start3A_81 = tpu.memref_squeeze %dma_start3A_80 : memref<1x125xi32, #tpu.memory_space<vmem>> -> memref<125xi32, #tpu.memory_space<vmem>>
      %dma_start3A_82 = arith.constant 0 : i32
      %dma_start3A_83 = arith.constant 0 : i32
      %dma_start3A_84 = tpu.memref_slice %arg2[%dma_start3A_82, %dma_start3A_83] : memref<10048x16xf32, #tpu.memory_space<hbm>> -> memref<10048x16xf32, #tpu.memory_space<hbm>>
      tpu.enqueue_indirect_dma source(%dma_start3A_84 : memref<10048x16xf32, #tpu.memory_space<hbm>>) target(%arg11 : memref<125x16xf32, #tpu.memory_space<vmem>>) offsets(%dma_start3A_81 : memref<125xi32, #tpu.memory_space<vmem>>) semaphore(%arg16 : memref<!tpu.dma_semaphore, #tpu.memory_space<semaphore_mem>>)
      %mul3A_85 = arith.constant 4 : i32
      %mul3A_86 = arith.muli %mul3A_85, %scan3A_59 : i32
      %add3A_87 = arith.constant 1 : i32
      %add3A_88 = arith.addi %mul3A_86, %add3A_87 : i32
      %add3A_89 = arith.constant 3 : i32
      %add3A_90 = arith.addi %add3A_88, %add3A_89 : i32
      %dma_wait3A_91 = arith.constant 0 : i32
      %dma_wait3A_92 = tpu.memref_slice %arg6[%add3A_88, %dma_wait3A_91] : memref<80x125xi32, #tpu.memory_space<vmem>> -> memref<1x125xi32, #tpu.memory_space<vmem>>
      %dma_wait3A_93 = tpu.memref_squeeze %dma_wait3A_92 : memref<1x125xi32, #tpu.memory_space<vmem>> -> memref<125xi32, #tpu.memory_space<vmem>>
      %dma_wait3A_94 = arith.constant 0 : i32
      %dma_wait3A_95 = arith.constant 0 : i32
      %dma_wait3A_96 = tpu.memref_slice %arg2[%dma_wait3A_94, %dma_wait3A_95] : memref<10048x16xf32, #tpu.memory_space<hbm>> -> memref<10048x16xf32, #tpu.memory_space<hbm>>
      tpu.wait_indirect_dma semaphore(%arg14 : memref<!tpu.dma_semaphore, #tpu.memory_space<semaphore_mem>>) src(%dma_wait3A_96 : memref<10048x16xf32, #tpu.memory_space<hbm>>) dst(%arg9 : memref<125x16xf32, #tpu.memory_space<vmem>>)
      %dma_start3A_97 = arith.constant 0 : i32
      %dma_start3A_98 = tpu.memref_slice %arg7[%add3A_88, %dma_start3A_97] : memref<80x125xi32, #tpu.memory_space<vmem>> -> memref<1x125xi32, #tpu.memory_space<vmem>>
      %dma_start3A_99 = tpu.memref_squeeze %dma_start3A_98 : memref<1x125xi32, #tpu.memory_space<vmem>> -> memref<125xi32, #tpu.memory_space<vmem>>
      %dma_start3A_100 = arith.constant 0 : i32
      %dma_start3A_101 = arith.constant 0 : i32
      %dma_start3A_102 = tpu.memref_slice %arg12[%dma_start3A_100, %dma_start3A_101] : memref<10048x16xf32, #tpu.memory_space<vmem_shared>> -> memref<10048x16xf32, #tpu.memory_space<vmem_shared>>
      tpu.enqueue_indirect_dma source(%arg9 : memref<125x16xf32, #tpu.memory_space<vmem>>) target(%dma_start3A_102 : memref<10048x16xf32, #tpu.memory_space<vmem_shared>>) offsets(%dma_start3A_99 : memref<125xi32, #tpu.memory_space<vmem>>) semaphore(%arg18 : memref<!tpu.dma_semaphore, #tpu.memory_space<semaphore_mem>>) {add = true}
      %lt3A = arith.constant 19 : i32
      %lt3A_103 = arith.cmpi slt, %scan3A_59, %lt3A : i32
      %convert_element_type3A_104 = arith.extui %lt3A_103 : i1 to i32
      %cond3A_105 = arith.constant 0 : i32
      %cond3A_106 = arith.cmpi ne, %convert_element_type3A_104, %cond3A_105 : i32
      scf.if %cond3A_106 {
        %dma_wait3A_153 = arith.constant 0 : i32
        %dma_wait3A_154 = arith.constant 0 : i32
        %dma_wait3A_155 = tpu.memref_slice %arg7[%dma_wait3A_153, %dma_wait3A_154] : memref<80x125xi32, #tpu.memory_space<vmem>> -> memref<1x125xi32, #tpu.memory_space<vmem>>
        %dma_wait3A_156 = tpu.memref_squeeze %dma_wait3A_155 : memref<1x125xi32, #tpu.memory_space<vmem>> -> memref<125xi32, #tpu.memory_space<vmem>>
        %dma_wait3A_157 = arith.constant 0 : i32
        %dma_wait3A_158 = arith.constant 0 : i32
        %dma_wait3A_159 = tpu.memref_slice %arg12[%dma_wait3A_157, %dma_wait3A_158] : memref<10048x16xf32, #tpu.memory_space<vmem_shared>> -> memref<10048x16xf32, #tpu.memory_space<vmem_shared>>
        tpu.wait_indirect_dma semaphore(%arg17 : memref<!tpu.dma_semaphore, #tpu.memory_space<semaphore_mem>>) src(%arg8 : memref<125x16xf32, #tpu.memory_space<vmem>>) dst(%dma_wait3A_159 : memref<10048x16xf32, #tpu.memory_space<vmem_shared>>)
        %dma_start3A_160 = arith.constant 0 : i32
        %dma_start3A_161 = tpu.memref_slice %arg6[%add3A_90, %dma_start3A_160] : memref<80x125xi32, #tpu.memory_space<vmem>> -> memref<1x125xi32, #tpu.memory_space<vmem>>
        %dma_start3A_162 = tpu.memref_squeeze %dma_start3A_161 : memref<1x125xi32, #tpu.memory_space<vmem>> -> memref<125xi32, #tpu.memory_space<vmem>>
        %dma_start3A_163 = arith.constant 0 : i32
        %dma_start3A_164 = arith.constant 0 : i32
        %dma_start3A_165 = tpu.memref_slice %arg2[%dma_start3A_163, %dma_start3A_164] : memref<10048x16xf32, #tpu.memory_space<hbm>> -> memref<10048x16xf32, #tpu.memory_space<hbm>>
        tpu.enqueue_indirect_dma source(%dma_start3A_165 : memref<10048x16xf32, #tpu.memory_space<hbm>>) target(%arg8 : memref<125x16xf32, #tpu.memory_space<vmem>>) offsets(%dma_start3A_162 : memref<125xi32, #tpu.memory_space<vmem>>) semaphore(%arg13 : memref<!tpu.dma_semaphore, #tpu.memory_space<semaphore_mem>>)
      } else {
      }
      %mul3A_107 = arith.constant 4 : i32
      %mul3A_108 = arith.muli %mul3A_107, %scan3A_59 : i32
      %add3A_109 = arith.constant 2 : i32
      %add3A_110 = arith.addi %mul3A_108, %add3A_109 : i32
      %add3A_111 = arith.constant 3 : i32
      %add3A_112 = arith.addi %add3A_110, %add3A_111 : i32
      %dma_wait3A_113 = arith.constant 0 : i32
      %dma_wait3A_114 = tpu.memref_slice %arg6[%add3A_110, %dma_wait3A_113] : memref<80x125xi32, #tpu.memory_space<vmem>> -> memref<1x125xi32, #tpu.memory_space<vmem>>
      %dma_wait3A_115 = tpu.memref_squeeze %dma_wait3A_114 : memref<1x125xi32, #tpu.memory_space<vmem>> -> memref<125xi32, #tpu.memory_space<vmem>>
      %dma_wait3A_116 = arith.constant 0 : i32
      %dma_wait3A_117 = arith.constant 0 : i32
      %dma_wait3A_118 = tpu.memref_slice %arg2[%dma_wait3A_116, %dma_wait3A_117] : memref<10048x16xf32, #tpu.memory_space<hbm>> -> memref<10048x16xf32, #tpu.memory_space<hbm>>
      tpu.wait_indirect_dma semaphore(%arg15 : memref<!tpu.dma_semaphore, #tpu.memory_space<semaphore_mem>>) src(%dma_wait3A_118 : memref<10048x16xf32, #tpu.memory_space<hbm>>) dst(%arg10 : memref<125x16xf32, #tpu.memory_space<vmem>>)
      %dma_start3A_119 = arith.constant 0 : i32
      %dma_start3A_120 = tpu.memref_slice %arg7[%add3A_110, %dma_start3A_119] : memref<80x125xi32, #tpu.memory_space<vmem>> -> memref<1x125xi32, #tpu.memory_space<vmem>>
      %dma_start3A_121 = tpu.memref_squeeze %dma_start3A_120 : memref<1x125xi32, #tpu.memory_space<vmem>> -> memref<125xi32, #tpu.memory_space<vmem>>
      %dma_start3A_122 = arith.constant 0 : i32
      %dma_start3A_123 = arith.constant 0 : i32
      %dma_start3A_124 = tpu.memref_slice %arg12[%dma_start3A_122, %dma_start3A_123] : memref<10048x16xf32, #tpu.memory_space<vmem_shared>> -> memref<10048x16xf32, #tpu.memory_space<vmem_shared>>
      tpu.enqueue_indirect_dma source(%arg10 : memref<125x16xf32, #tpu.memory_space<vmem>>) target(%dma_start3A_124 : memref<10048x16xf32, #tpu.memory_space<vmem_shared>>) offsets(%dma_start3A_121 : memref<125xi32, #tpu.memory_space<vmem>>) semaphore(%arg19 : memref<!tpu.dma_semaphore, #tpu.memory_space<semaphore_mem>>) {add = true}
      %lt3A_125 = arith.constant 19 : i32
      %lt3A_126 = arith.cmpi slt, %scan3A_59, %lt3A_125 : i32
      %convert_element_type3A_127 = arith.extui %lt3A_126 : i1 to i32
      %cond3A_128 = arith.constant 0 : i32
      %cond3A_129 = arith.cmpi ne, %convert_element_type3A_127, %cond3A_128 : i32
      scf.if %cond3A_129 {
        %dma_wait3A_153 = arith.constant 0 : i32
        %dma_wait3A_154 = arith.constant 0 : i32
        %dma_wait3A_155 = tpu.memref_slice %arg7[%dma_wait3A_153, %dma_wait3A_154] : memref<80x125xi32, #tpu.memory_space<vmem>> -> memref<1x125xi32, #tpu.memory_space<vmem>>
        %dma_wait3A_156 = tpu.memref_squeeze %dma_wait3A_155 : memref<1x125xi32, #tpu.memory_space<vmem>> -> memref<125xi32, #tpu.memory_space<vmem>>
        %dma_wait3A_157 = arith.constant 0 : i32
        %dma_wait3A_158 = arith.constant 0 : i32
        %dma_wait3A_159 = tpu.memref_slice %arg12[%dma_wait3A_157, %dma_wait3A_158] : memref<10048x16xf32, #tpu.memory_space<vmem_shared>> -> memref<10048x16xf32, #tpu.memory_space<vmem_shared>>
        tpu.wait_indirect_dma semaphore(%arg18 : memref<!tpu.dma_semaphore, #tpu.memory_space<semaphore_mem>>) src(%arg9 : memref<125x16xf32, #tpu.memory_space<vmem>>) dst(%dma_wait3A_159 : memref<10048x16xf32, #tpu.memory_space<vmem_shared>>)
        %dma_start3A_160 = arith.constant 0 : i32
        %dma_start3A_161 = tpu.memref_slice %arg6[%add3A_112, %dma_start3A_160] : memref<80x125xi32, #tpu.memory_space<vmem>> -> memref<1x125xi32, #tpu.memory_space<vmem>>
        %dma_start3A_162 = tpu.memref_squeeze %dma_start3A_161 : memref<1x125xi32, #tpu.memory_space<vmem>> -> memref<125xi32, #tpu.memory_space<vmem>>
        %dma_start3A_163 = arith.constant 0 : i32
        %dma_start3A_164 = arith.constant 0 : i32
        %dma_start3A_165 = tpu.memref_slice %arg2[%dma_start3A_163, %dma_start3A_164] : memref<10048x16xf32, #tpu.memory_space<hbm>> -> memref<10048x16xf32, #tpu.memory_space<hbm>>
        tpu.enqueue_indirect_dma source(%dma_start3A_165 : memref<10048x16xf32, #tpu.memory_space<hbm>>) target(%arg9 : memref<125x16xf32, #tpu.memory_space<vmem>>) offsets(%dma_start3A_162 : memref<125xi32, #tpu.memory_space<vmem>>) semaphore(%arg14 : memref<!tpu.dma_semaphore, #tpu.memory_space<semaphore_mem>>)
      } else {
      }
      %mul3A_130 = arith.constant 4 : i32
      %mul3A_131 = arith.muli %mul3A_130, %scan3A_59 : i32
      %add3A_132 = arith.constant 3 : i32
      %add3A_133 = arith.addi %mul3A_131, %add3A_132 : i32
      %add3A_134 = arith.constant 3 : i32
      %add3A_135 = arith.addi %add3A_133, %add3A_134 : i32
      %dma_wait3A_136 = arith.constant 0 : i32
      %dma_wait3A_137 = tpu.memref_slice %arg6[%add3A_133, %dma_wait3A_136] : memref<80x125xi32, #tpu.memory_space<vmem>> -> memref<1x125xi32, #tpu.memory_space<vmem>>
      %dma_wait3A_138 = tpu.memref_squeeze %dma_wait3A_137 : memref<1x125xi32, #tpu.memory_space<vmem>> -> memref<125xi32, #tpu.memory_space<vmem>>
      %dma_wait3A_139 = arith.constant 0 : i32
      %dma_wait3A_140 = arith.constant 0 : i32
      %dma_wait3A_141 = tpu.memref_slice %arg2[%dma_wait3A_139, %dma_wait3A_140] : memref<10048x16xf32, #tpu.memory_space<hbm>> -> memref<10048x16xf32, #tpu.memory_space<hbm>>
      tpu.wait_indirect_dma semaphore(%arg16 : memref<!tpu.dma_semaphore, #tpu.memory_space<semaphore_mem>>) src(%dma_wait3A_141 : memref<10048x16xf32, #tpu.memory_space<hbm>>) dst(%arg11 : memref<125x16xf32, #tpu.memory_space<vmem>>)
      %dma_start3A_142 = arith.constant 0 : i32
      %dma_start3A_143 = tpu.memref_slice %arg7[%add3A_133, %dma_start3A_142] : memref<80x125xi32, #tpu.memory_space<vmem>> -> memref<1x125xi32, #tpu.memory_space<vmem>>
      %dma_start3A_144 = tpu.memref_squeeze %dma_start3A_143 : memref<1x125xi32, #tpu.memory_space<vmem>> -> memref<125xi32, #tpu.memory_space<vmem>>
      %dma_start3A_145 = arith.constant 0 : i32
      %dma_start3A_146 = arith.constant 0 : i32
      %dma_start3A_147 = tpu.memref_slice %arg12[%dma_start3A_145, %dma_start3A_146] : memref<10048x16xf32, #tpu.memory_space<vmem_shared>> -> memref<10048x16xf32, #tpu.memory_space<vmem_shared>>
      tpu.enqueue_indirect_dma source(%arg11 : memref<125x16xf32, #tpu.memory_space<vmem>>) target(%dma_start3A_147 : memref<10048x16xf32, #tpu.memory_space<vmem_shared>>) offsets(%dma_start3A_144 : memref<125xi32, #tpu.memory_space<vmem>>) semaphore(%arg20 : memref<!tpu.dma_semaphore, #tpu.memory_space<semaphore_mem>>) {add = true}
      %lt3A_148 = arith.constant 19 : i32
      %lt3A_149 = arith.cmpi slt, %scan3A_59, %lt3A_148 : i32
      %convert_element_type3A_150 = arith.extui %lt3A_149 : i1 to i32
      %cond3A_151 = arith.constant 0 : i32
      %cond3A_152 = arith.cmpi ne, %convert_element_type3A_150, %cond3A_151 : i32
      scf.if %cond3A_152 {
        %dma_wait3A_153 = arith.constant 0 : i32
        %dma_wait3A_154 = arith.constant 0 : i32
        %dma_wait3A_155 = tpu.memref_slice %arg7[%dma_wait3A_153, %dma_wait3A_154] : memref<80x125xi32, #tpu.memory_space<vmem>> -> memref<1x125xi32, #tpu.memory_space<vmem>>
        %dma_wait3A_156 = tpu.memref_squeeze %dma_wait3A_155 : memref<1x125xi32, #tpu.memory_space<vmem>> -> memref<125xi32, #tpu.memory_space<vmem>>
        %dma_wait3A_157 = arith.constant 0 : i32
        %dma_wait3A_158 = arith.constant 0 : i32
        %dma_wait3A_159 = tpu.memref_slice %arg12[%dma_wait3A_157, %dma_wait3A_158] : memref<10048x16xf32, #tpu.memory_space<vmem_shared>> -> memref<10048x16xf32, #tpu.memory_space<vmem_shared>>
        tpu.wait_indirect_dma semaphore(%arg19 : memref<!tpu.dma_semaphore, #tpu.memory_space<semaphore_mem>>) src(%arg10 : memref<125x16xf32, #tpu.memory_space<vmem>>) dst(%dma_wait3A_159 : memref<10048x16xf32, #tpu.memory_space<vmem_shared>>)
        %dma_start3A_160 = arith.constant 0 : i32
        %dma_start3A_161 = tpu.memref_slice %arg6[%add3A_135, %dma_start3A_160] : memref<80x125xi32, #tpu.memory_space<vmem>> -> memref<1x125xi32, #tpu.memory_space<vmem>>
        %dma_start3A_162 = tpu.memref_squeeze %dma_start3A_161 : memref<1x125xi32, #tpu.memory_space<vmem>> -> memref<125xi32, #tpu.memory_space<vmem>>
        %dma_start3A_163 = arith.constant 0 : i32
        %dma_start3A_164 = arith.constant 0 : i32
        %dma_start3A_165 = tpu.memref_slice %arg2[%dma_start3A_163, %dma_start3A_164] : memref<10048x16xf32, #tpu.memory_space<hbm>> -> memref<10048x16xf32, #tpu.memory_space<hbm>>
        tpu.enqueue_indirect_dma source(%dma_start3A_165 : memref<10048x16xf32, #tpu.memory_space<hbm>>) target(%arg10 : memref<125x16xf32, #tpu.memory_space<vmem>>) offsets(%dma_start3A_162 : memref<125xi32, #tpu.memory_space<vmem>>) semaphore(%arg15 : memref<!tpu.dma_semaphore, #tpu.memory_space<semaphore_mem>>)
      } else {
      }
    }
    %scan3A_26 = arith.constant 20 : i32
    %dma_wait3A = arith.constant 0 : i32
    %dma_wait3A_27 = arith.constant 0 : i32
    %dma_wait3A_28 = tpu.memref_slice %arg7[%dma_wait3A, %dma_wait3A_27] : memref<80x125xi32, #tpu.memory_space<vmem>> -> memref<1x125xi32, #tpu.memory_space<vmem>>
    %dma_wait3A_29 = tpu.memref_squeeze %dma_wait3A_28 : memref<1x125xi32, #tpu.memory_space<vmem>> -> memref<125xi32, #tpu.memory_space<vmem>>
    %dma_wait3A_30 = arith.constant 0 : i32
    %dma_wait3A_31 = arith.constant 0 : i32
    %dma_wait3A_32 = tpu.memref_slice %arg12[%dma_wait3A_30, %dma_wait3A_31] : memref<10048x16xf32, #tpu.memory_space<vmem_shared>> -> memref<10048x16xf32, #tpu.memory_space<vmem_shared>>
    tpu.wait_indirect_dma semaphore(%arg17 : memref<!tpu.dma_semaphore, #tpu.memory_space<semaphore_mem>>) src(%arg8 : memref<125x16xf32, #tpu.memory_space<vmem>>) dst(%dma_wait3A_32 : memref<10048x16xf32, #tpu.memory_space<vmem_shared>>)
    %dma_wait3A_33 = arith.constant 0 : i32
    %dma_wait3A_34 = arith.constant 0 : i32
    %dma_wait3A_35 = tpu.memref_slice %arg7[%dma_wait3A_33, %dma_wait3A_34] : memref<80x125xi32, #tpu.memory_space<vmem>> -> memref<1x125xi32, #tpu.memory_space<vmem>>
    %dma_wait3A_36 = tpu.memref_squeeze %dma_wait3A_35 : memref<1x125xi32, #tpu.memory_space<vmem>> -> memref<125xi32, #tpu.memory_space<vmem>>
    %dma_wait3A_37 = arith.constant 0 : i32
    %dma_wait3A_38 = arith.constant 0 : i32
    %dma_wait3A_39 = tpu.memref_slice %arg12[%dma_wait3A_37, %dma_wait3A_38] : memref<10048x16xf32, #tpu.memory_space<vmem_shared>> -> memref<10048x16xf32, #tpu.memory_space<vmem_shared>>
    tpu.wait_indirect_dma semaphore(%arg18 : memref<!tpu.dma_semaphore, #tpu.memory_space<semaphore_mem>>) src(%arg9 : memref<125x16xf32, #tpu.memory_space<vmem>>) dst(%dma_wait3A_39 : memref<10048x16xf32, #tpu.memory_space<vmem_shared>>)
    %dma_wait3A_40 = arith.constant 0 : i32
    %dma_wait3A_41 = arith.constant 0 : i32
    %dma_wait3A_42 = tpu.memref_slice %arg7[%dma_wait3A_40, %dma_wait3A_41] : memref<80x125xi32, #tpu.memory_space<vmem>> -> memref<1x125xi32, #tpu.memory_space<vmem>>
    %dma_wait3A_43 = tpu.memref_squeeze %dma_wait3A_42 : memref<1x125xi32, #tpu.memory_space<vmem>> -> memref<125xi32, #tpu.memory_space<vmem>>
    %dma_wait3A_44 = arith.constant 0 : i32
    %dma_wait3A_45 = arith.constant 0 : i32
    %dma_wait3A_46 = tpu.memref_slice %arg12[%dma_wait3A_44, %dma_wait3A_45] : memref<10048x16xf32, #tpu.memory_space<vmem_shared>> -> memref<10048x16xf32, #tpu.memory_space<vmem_shared>>
    tpu.wait_indirect_dma semaphore(%arg19 : memref<!tpu.dma_semaphore, #tpu.memory_space<semaphore_mem>>) src(%arg10 : memref<125x16xf32, #tpu.memory_space<vmem>>) dst(%dma_wait3A_46 : memref<10048x16xf32, #tpu.memory_space<vmem_shared>>)
    %dma_wait3A_47 = arith.constant 0 : i32
    %dma_wait3A_48 = arith.constant 0 : i32
    %dma_wait3A_49 = tpu.memref_slice %arg7[%dma_wait3A_47, %dma_wait3A_48] : memref<80x125xi32, #tpu.memory_space<vmem>> -> memref<1x125xi32, #tpu.memory_space<vmem>>
    %dma_wait3A_50 = tpu.memref_squeeze %dma_wait3A_49 : memref<1x125xi32, #tpu.memory_space<vmem>> -> memref<125xi32, #tpu.memory_space<vmem>>
    %dma_wait3A_51 = arith.constant 0 : i32
    %dma_wait3A_52 = arith.constant 0 : i32
    %dma_wait3A_53 = tpu.memref_slice %arg12[%dma_wait3A_51, %dma_wait3A_52] : memref<10048x16xf32, #tpu.memory_space<vmem_shared>> -> memref<10048x16xf32, #tpu.memory_space<vmem_shared>>
    tpu.wait_indirect_dma semaphore(%arg20 : memref<!tpu.dma_semaphore, #tpu.memory_space<semaphore_mem>>) src(%arg11 : memref<125x16xf32, #tpu.memory_space<vmem>>) dst(%dma_wait3A_53 : memref<10048x16xf32, #tpu.memory_space<vmem_shared>>)
    %barrier3A_54 = arith.constant 0 : index
    tpu.barrier barrier_id(%barrier3A_54)
    %mul3A_55 = arith.constant 628 : i32
    %mul3A_56 = arith.muli %arg1, %mul3A_55 : i32
    %mul3A_57 = arith.constant 628 : i32
    %mul3A_58 = arith.muli %arg1, %mul3A_57 : i32
    "tpu.region"() ({
      %run_scoped3A_59 = tpu.sem_alloc : memref<!tpu.dma_semaphore, #tpu.memory_space<semaphore_mem>>
      %dma_start3A_60 = arith.constant 0 : i32
      %dma_start3A_61 = tpu.memref_slice %arg5[%arg0, %mul3A_58, %dma_start3A_60] : memref<2x10048x16xf32, #tpu.memory_space<hbm>> -> memref<1x628x16xf32, #tpu.memory_space<hbm>>
      %dma_start3A_62 = tpu.memref_squeeze %dma_start3A_61 : memref<1x628x16xf32, #tpu.memory_space<hbm>> -> memref<628x16xf32, #tpu.memory_space<hbm>>
      %dma_start3A_63 = arith.constant 0 : i32
      %dma_start3A_64 = tpu.memref_slice %arg12[%mul3A_56, %dma_start3A_63] : memref<10048x16xf32, #tpu.memory_space<vmem_shared>> -> memref<628x16xf32, #tpu.memory_space<vmem_shared>>
      tpu.enqueue_dma source(%dma_start3A_64 : memref<628x16xf32, #tpu.memory_space<vmem_shared>>) target(%dma_start3A_62 : memref<628x16xf32, #tpu.memory_space<hbm>>) target_semaphore(%run_scoped3A_59 : memref<!tpu.dma_semaphore, #tpu.memory_space<semaphore_mem>>)
      %dma_wait3A_65 = arith.constant 0 : i32
      %dma_wait3A_66 = tpu.memref_slice %arg5[%arg0, %mul3A_58, %dma_wait3A_65] : memref<2x10048x16xf32, #tpu.memory_space<hbm>> -> memref<1x628x16xf32, #tpu.memory_space<hbm>>
      %dma_wait3A_67 = tpu.memref_squeeze %dma_wait3A_66 : memref<1x628x16xf32, #tpu.memory_space<hbm>> -> memref<628x16xf32, #tpu.memory_space<hbm>>
      %dma_wait3A_68 = arith.constant 0 : i32
      %dma_wait3A_69 = tpu.memref_slice %arg12[%mul3A_56, %dma_wait3A_68] : memref<10048x16xf32, #tpu.memory_space<vmem_shared>> -> memref<628x16xf32, #tpu.memory_space<vmem_shared>>
      tpu.wait_dma2 semaphore(%run_scoped3A_59 : memref<!tpu.dma_semaphore, #tpu.memory_space<semaphore_mem>>) src(%dma_wait3A_69 : memref<628x16xf32, #tpu.memory_space<vmem_shared>>) dst(%dma_wait3A_67 : memref<628x16xf32, #tpu.memory_space<hbm>>)
      tpu.yield
    }) : () -> ()
    return
  }
}

#map = affine_map<(d0, d1) -> (0, 0)>
#map1 = affine_map<(d0, d1) -> (0, 0, 0, 0, 0)>
#map2 = affine_map<(d0, d1) -> (0, 0, 0)>
module attributes {stable_mosaic.version = 14 : i64} {
  func.func @_edge_kernel(%arg0: i32, %arg1: i32, %arg2: memref<10048x16xf32, #tpu.memory_space<hbm>>, %arg3: memref<2x2x16x80x125xi32, #tpu.memory_space<hbm>>, %arg4: memref<628x16xf32, #tpu.memory_space<hbm>>, %arg5: memref<2x10048x16xf32, #tpu.memory_space<hbm>>, %arg6: memref<80x125xi32, #tpu.memory_space<vmem>>, %arg7: memref<80x125xi32, #tpu.memory_space<vmem>>, %arg8: memref<125x16xf32, #tpu.memory_space<vmem>>, %arg9: memref<125x16xf32, #tpu.memory_space<vmem>>, %arg10: memref<125x16xf32, #tpu.memory_space<vmem>>, %arg11: memref<125x16xf32, #tpu.memory_space<vmem>>, %arg12: memref<10048x16xf32, #tpu.memory_space<vmem_shared>>, %arg13: memref<!tpu.dma_semaphore, #tpu.memory_space<semaphore_mem>>, %arg14: memref<!tpu.dma_semaphore, #tpu.memory_space<semaphore_mem>>, %arg15: memref<!tpu.dma_semaphore, #tpu.memory_space<semaphore_mem>>, %arg16: memref<!tpu.dma_semaphore, #tpu.memory_space<semaphore_mem>>, %arg17: memref<!tpu.dma_semaphore, #tpu.memory_space<semaphore_mem>>, %arg18: memref<!tpu.dma_semaphore, #tpu.memory_space<semaphore_mem>>, %arg19: memref<!tpu.dma_semaphore, #tpu.memory_space<semaphore_mem>>, %arg20: memref<!tpu.dma_semaphore, #tpu.memory_space<semaphore_mem>>) attributes {dimension_semantics = [#tpu.dimension_semantics<core_parallel>, #tpu.dimension_semantics<subcore_parallel>], iteration_bounds = array<i64: 2, 16>, scalar_prefetch = 0 : i64, scratch_operands = 15 : i64, tpu.core_type = #tpu.core_type<sc_vector_subcore>, window_params = [{transform_indices = #map}, {transform_indices = #map1}, {transform_indices = #map}, {transform_indices = #map2}]} {
    %mul3A = arith.constant 628 : i32
    %mul3A_0 = arith.muli %arg1, %mul3A : i32
    "tpu.region"() ({
      %run_scoped3A_59 = tpu.sem_alloc : memref<!tpu.dma_semaphore, #tpu.memory_space<semaphore_mem>>
      %dma_start3A_60 = arith.constant 0 : i32
      %dma_start3A_61 = tpu.memref_slice %arg12[%mul3A_0, %dma_start3A_60] : memref<10048x16xf32, #tpu.memory_space<vmem_shared>> -> memref<628x16xf32, #tpu.memory_space<vmem_shared>>
      tpu.enqueue_dma source(%arg4 : memref<628x16xf32, #tpu.memory_space<hbm>>) target(%dma_start3A_61 : memref<628x16xf32, #tpu.memory_space<vmem_shared>>) target_semaphore(%run_scoped3A_59 : memref<!tpu.dma_semaphore, #tpu.memory_space<semaphore_mem>>)
      %dma_wait3A_62 = arith.constant 0 : i32
      %dma_wait3A_63 = tpu.memref_slice %arg12[%mul3A_0, %dma_wait3A_62] : memref<10048x16xf32, #tpu.memory_space<vmem_shared>> -> memref<628x16xf32, #tpu.memory_space<vmem_shared>>
      tpu.wait_dma2 semaphore(%run_scoped3A_59 : memref<!tpu.dma_semaphore, #tpu.memory_space<semaphore_mem>>) src(%arg4 : memref<628x16xf32, #tpu.memory_space<hbm>>) dst(%dma_wait3A_63 : memref<628x16xf32, #tpu.memory_space<vmem_shared>>)
      tpu.yield
    }) : () -> ()
    %run_scoped3A = arith.constant 0 : i32
    "tpu.region"() ({
      %run_scoped3A_59 = tpu.sem_alloc : memref<!tpu.dma_semaphore, #tpu.memory_space<semaphore_mem>>
      %dma_start3A_60 = arith.constant 0 : i32
      %dma_start3A_61 = arith.constant 0 : i32
      %dma_start3A_62 = tpu.memref_slice %arg3[%run_scoped3A, %arg0, %arg1, %dma_start3A_60, %dma_start3A_61] : memref<2x2x16x80x125xi32, #tpu.memory_space<hbm>> -> memref<1x1x1x80x125xi32, #tpu.memory_space<hbm>>
      %dma_start3A_63 = tpu.memref_squeeze %dma_start3A_62 : memref<1x1x1x80x125xi32, #tpu.memory_space<hbm>> -> memref<80x125xi32, #tpu.memory_space<hbm>>
      %dma_start3A_64 = arith.constant 0 : i32
      %dma_start3A_65 = arith.constant 0 : i32
      %dma_start3A_66 = tpu.memref_slice %arg3[%run_scoped3A, %arg0, %arg1, %dma_start3A_64, %dma_start3A_65] : memref<2x2x16x80x125xi32, #tpu.memory_space<hbm>> -> memref<1x1x1x80x125xi32, #tpu.memory_space<hbm>>
      %dma_start3A_67 = tpu.memref_squeeze %dma_start3A_66 : memref<1x1x1x80x125xi32, #tpu.memory_space<hbm>> -> memref<80x125xi32, #tpu.memory_space<hbm>>
      tpu.enqueue_dma source(%dma_start3A_67 : memref<80x125xi32, #tpu.memory_space<hbm>>) target(%arg6 : memref<80x125xi32, #tpu.memory_space<vmem>>) target_semaphore(%run_scoped3A_59 : memref<!tpu.dma_semaphore, #tpu.memory_space<semaphore_mem>>)
      %dma_wait3A_68 = arith.constant 0 : i32
      %dma_wait3A_69 = arith.constant 0 : i32
      %dma_wait3A_70 = tpu.memref_slice %arg3[%run_scoped3A, %arg0, %arg1, %dma_wait3A_68, %dma_wait3A_69] : memref<2x2x16x80x125xi32, #tpu.memory_space<hbm>> -> memref<1x1x1x80x125xi32, #tpu.memory_space<hbm>>
      %dma_wait3A_71 = tpu.memref_squeeze %dma_wait3A_70 : memref<1x1x1x80x125xi32, #tpu.memory_space<hbm>> -> memref<80x125xi32, #tpu.memory_space<hbm>>
      %dma_wait3A_72 = arith.constant 0 : i32
      %dma_wait3A_73 = arith.constant 0 : i32
      %dma_wait3A_74 = tpu.memref_slice %arg3[%run_scoped3A, %arg0, %arg1, %dma_wait3A_72, %dma_wait3A_73] : memref<2x2x16x80x125xi32, #tpu.memory_space<hbm>> -> memref<1x1x1x80x125xi32, #tpu.memory_space<hbm>>
      %dma_wait3A_75 = tpu.memref_squeeze %dma_wait3A_74 : memref<1x1x1x80x125xi32, #tpu.memory_space<hbm>> -> memref<80x125xi32, #tpu.memory_space<hbm>>
      tpu.wait_dma2 semaphore(%run_scoped3A_59 : memref<!tpu.dma_semaphore, #tpu.memory_space<semaphore_mem>>) src(%dma_wait3A_75 : memref<80x125xi32, #tpu.memory_space<hbm>>) dst(%arg6 : memref<80x125xi32, #tpu.memory_space<vmem>>)
      tpu.yield
    }) : () -> ()
    %run_scoped3A_1 = arith.constant 1 : i32
    "tpu.region"() ({
      %run_scoped3A_59 = tpu.sem_alloc : memref<!tpu.dma_semaphore, #tpu.memory_space<semaphore_mem>>
      %dma_start3A_60 = arith.constant 0 : i32
      %dma_start3A_61 = arith.constant 0 : i32
      %dma_start3A_62 = tpu.memref_slice %arg3[%run_scoped3A_1, %arg0, %arg1, %dma_start3A_60, %dma_start3A_61] : memref<2x2x16x80x125xi32, #tpu.memory_space<hbm>> -> memref<1x1x1x80x125xi32, #tpu.memory_space<hbm>>
      %dma_start3A_63 = tpu.memref_squeeze %dma_start3A_62 : memref<1x1x1x80x125xi32, #tpu.memory_space<hbm>> -> memref<80x125xi32, #tpu.memory_space<hbm>>
      %dma_start3A_64 = arith.constant 0 : i32
      %dma_start3A_65 = arith.constant 0 : i32
      %dma_start3A_66 = tpu.memref_slice %arg3[%run_scoped3A_1, %arg0, %arg1, %dma_start3A_64, %dma_start3A_65] : memref<2x2x16x80x125xi32, #tpu.memory_space<hbm>> -> memref<1x1x1x80x125xi32, #tpu.memory_space<hbm>>
      %dma_start3A_67 = tpu.memref_squeeze %dma_start3A_66 : memref<1x1x1x80x125xi32, #tpu.memory_space<hbm>> -> memref<80x125xi32, #tpu.memory_space<hbm>>
      tpu.enqueue_dma source(%dma_start3A_67 : memref<80x125xi32, #tpu.memory_space<hbm>>) target(%arg7 : memref<80x125xi32, #tpu.memory_space<vmem>>) target_semaphore(%run_scoped3A_59 : memref<!tpu.dma_semaphore, #tpu.memory_space<semaphore_mem>>)
      %dma_wait3A_68 = arith.constant 0 : i32
      %dma_wait3A_69 = arith.constant 0 : i32
      %dma_wait3A_70 = tpu.memref_slice %arg3[%run_scoped3A_1, %arg0, %arg1, %dma_wait3A_68, %dma_wait3A_69] : memref<2x2x16x80x125xi32, #tpu.memory_space<hbm>> -> memref<1x1x1x80x125xi32, #tpu.memory_space<hbm>>
      %dma_wait3A_71 = tpu.memref_squeeze %dma_wait3A_70 : memref<1x1x1x80x125xi32, #tpu.memory_space<hbm>> -> memref<80x125xi32, #tpu.memory_space<hbm>>
      %dma_wait3A_72 = arith.constant 0 : i32
      %dma_wait3A_73 = arith.constant 0 : i32
      %dma_wait3A_74 = tpu.memref_slice %arg3[%run_scoped3A_1, %arg0, %arg1, %dma_wait3A_72, %dma_wait3A_73] : memref<2x2x16x80x125xi32, #tpu.memory_space<hbm>> -> memref<1x1x1x80x125xi32, #tpu.memory_space<hbm>>
      %dma_wait3A_75 = tpu.memref_squeeze %dma_wait3A_74 : memref<1x1x1x80x125xi32, #tpu.memory_space<hbm>> -> memref<80x125xi32, #tpu.memory_space<hbm>>
      tpu.wait_dma2 semaphore(%run_scoped3A_59 : memref<!tpu.dma_semaphore, #tpu.memory_space<semaphore_mem>>) src(%dma_wait3A_75 : memref<80x125xi32, #tpu.memory_space<hbm>>) dst(%arg7 : memref<80x125xi32, #tpu.memory_space<vmem>>)
      tpu.yield
    }) : () -> ()
    %barrier3A = arith.constant 0 : index
    tpu.barrier barrier_id(%barrier3A)
    %dma_start3A = arith.constant 0 : i32
    %dma_start3A_2 = arith.constant 0 : i32
    %dma_start3A_3 = tpu.memref_slice %arg6[%dma_start3A, %dma_start3A_2] : memref<80x125xi32, #tpu.memory_space<vmem>> -> memref<1x125xi32, #tpu.memory_space<vmem>>
    %dma_start3A_4 = tpu.memref_squeeze %dma_start3A_3 : memref<1x125xi32, #tpu.memory_space<vmem>> -> memref<125xi32, #tpu.memory_space<vmem>>
    %dma_start3A_5 = arith.constant 0 : i32
    %dma_start3A_6 = arith.constant 0 : i32
    %dma_start3A_7 = tpu.memref_slice %arg2[%dma_start3A_5, %dma_start3A_6] : memref<10048x16xf32, #tpu.memory_space<hbm>> -> memref<10048x16xf32, #tpu.memory_space<hbm>>
    tpu.enqueue_indirect_dma source(%dma_start3A_7 : memref<10048x16xf32, #tpu.memory_space<hbm>>) target(%arg8 : memref<125x16xf32, #tpu.memory_space<vmem>>) offsets(%dma_start3A_4 : memref<125xi32, #tpu.memory_space<vmem>>) semaphore(%arg13 : memref<!tpu.dma_semaphore, #tpu.memory_space<semaphore_mem>>)
    %dma_start3A_8 = arith.constant 1 : i32
    %dma_start3A_9 = arith.constant 0 : i32
    %dma_start3A_10 = tpu.memref_slice %arg6[%dma_start3A_8, %dma_start3A_9] : memref<80x125xi32, #tpu.memory_space<vmem>> -> memref<1x125xi32, #tpu.memory_space<vmem>>
    %dma_start3A_11 = tpu.memref_squeeze %dma_start3A_10 : memref<1x125xi32, #tpu.memory_space<vmem>> -> memref<125xi32, #tpu.memory_space<vmem>>
    %dma_start3A_12 = arith.constant 0 : i32
    %dma_start3A_13 = arith.constant 0 : i32
    %dma_start3A_14 = tpu.memref_slice %arg2[%dma_start3A_12, %dma_start3A_13] : memref<10048x16xf32, #tpu.memory_space<hbm>> -> memref<10048x16xf32, #tpu.memory_space<hbm>>
    tpu.enqueue_indirect_dma source(%dma_start3A_14 : memref<10048x16xf32, #tpu.memory_space<hbm>>) target(%arg9 : memref<125x16xf32, #tpu.memory_space<vmem>>) offsets(%dma_start3A_11 : memref<125xi32, #tpu.memory_space<vmem>>) semaphore(%arg14 : memref<!tpu.dma_semaphore, #tpu.memory_space<semaphore_mem>>)
    %dma_start3A_15 = arith.constant 2 : i32
    %dma_start3A_16 = arith.constant 0 : i32
    %dma_start3A_17 = tpu.memref_slice %arg6[%dma_start3A_15, %dma_start3A_16] : memref<80x125xi32, #tpu.memory_space<vmem>> -> memref<1x125xi32, #tpu.memory_space<vmem>>
    %dma_start3A_18 = tpu.memref_squeeze %dma_start3A_17 : memref<1x125xi32, #tpu.memory_space<vmem>> -> memref<125xi32, #tpu.memory_space<vmem>>
    %dma_start3A_19 = arith.constant 0 : i32
    %dma_start3A_20 = arith.constant 0 : i32
    %dma_start3A_21 = tpu.memref_slice %arg2[%dma_start3A_19, %dma_start3A_20] : memref<10048x16xf32, #tpu.memory_space<hbm>> -> memref<10048x16xf32, #tpu.memory_space<hbm>>
    tpu.enqueue_indirect_dma source(%dma_start3A_21 : memref<10048x16xf32, #tpu.memory_space<hbm>>) target(%arg10 : memref<125x16xf32, #tpu.memory_space<vmem>>) offsets(%dma_start3A_18 : memref<125xi32, #tpu.memory_space<vmem>>) semaphore(%arg15 : memref<!tpu.dma_semaphore, #tpu.memory_space<semaphore_mem>>)
    %scan3A = arith.constant 0 : i32
    %scan3A_22 = arith.constant 0 : i32
    %scan3A_23 = arith.constant 20 : i32
    %scan3A_24 = arith.addi %scan3A_22, %scan3A_23 : i32
    %scan3A_25 = arith.constant 1 : i32
    scf.for %scan3A_59 = %scan3A_22 to %scan3A_24 step %scan3A_25  : i32 {
      %mul3A_60 = arith.constant 4 : i32
      %mul3A_61 = arith.muli %mul3A_60, %scan3A_59 : i32
      %add3A = arith.constant 0 : i32
      %add3A_62 = arith.addi %mul3A_61, %add3A : i32
      %add3A_63 = arith.constant 3 : i32
      %add3A_64 = arith.addi %add3A_62, %add3A_63 : i32
      %dma_wait3A_65 = arith.constant 0 : i32
      %dma_wait3A_66 = tpu.memref_slice %arg6[%add3A_62, %dma_wait3A_65] : memref<80x125xi32, #tpu.memory_space<vmem>> -> memref<1x125xi32, #tpu.memory_space<vmem>>
      %dma_wait3A_67 = tpu.memref_squeeze %dma_wait3A_66 : memref<1x125xi32, #tpu.memory_space<vmem>> -> memref<125xi32, #tpu.memory_space<vmem>>
      %dma_wait3A_68 = arith.constant 0 : i32
      %dma_wait3A_69 = arith.constant 0 : i32
      %dma_wait3A_70 = tpu.memref_slice %arg2[%dma_wait3A_68, %dma_wait3A_69] : memref<10048x16xf32, #tpu.memory_space<hbm>> -> memref<10048x16xf32, #tpu.memory_space<hbm>>
      tpu.wait_indirect_dma semaphore(%arg13 : memref<!tpu.dma_semaphore, #tpu.memory_space<semaphore_mem>>) src(%dma_wait3A_70 : memref<10048x16xf32, #tpu.memory_space<hbm>>) dst(%arg8 : memref<125x16xf32, #tpu.memory_space<vmem>>)
      %dma_start3A_71 = arith.constant 0 : i32
      %dma_start3A_72 = tpu.memref_slice %arg7[%add3A_62, %dma_start3A_71] : memref<80x125xi32, #tpu.memory_space<vmem>> -> memref<1x125xi32, #tpu.memory_space<vmem>>
      %dma_start3A_73 = tpu.memref_squeeze %dma_start3A_72 : memref<1x125xi32, #tpu.memory_space<vmem>> -> memref<125xi32, #tpu.memory_space<vmem>>
      %dma_start3A_74 = arith.constant 0 : i32
      %dma_start3A_75 = arith.constant 0 : i32
      %dma_start3A_76 = tpu.memref_slice %arg12[%dma_start3A_74, %dma_start3A_75] : memref<10048x16xf32, #tpu.memory_space<vmem_shared>> -> memref<10048x16xf32, #tpu.memory_space<vmem_shared>>
      tpu.enqueue_indirect_dma source(%arg8 : memref<125x16xf32, #tpu.memory_space<vmem>>) target(%dma_start3A_76 : memref<10048x16xf32, #tpu.memory_space<vmem_shared>>) offsets(%dma_start3A_73 : memref<125xi32, #tpu.memory_space<vmem>>) semaphore(%arg17 : memref<!tpu.dma_semaphore, #tpu.memory_space<semaphore_mem>>) {add = true}
      %gt3A = arith.constant 0 : i32
      %gt3A_77 = arith.cmpi sgt, %scan3A_59, %gt3A : i32
      %convert_element_type3A = arith.extui %gt3A_77 : i1 to i32
      %cond3A = arith.constant 0 : i32
      %cond3A_78 = arith.cmpi ne, %convert_element_type3A, %cond3A : i32
      scf.if %cond3A_78 {
        %dma_wait3A_153 = arith.constant 0 : i32
        %dma_wait3A_154 = arith.constant 0 : i32
        %dma_wait3A_155 = tpu.memref_slice %arg7[%dma_wait3A_153, %dma_wait3A_154] : memref<80x125xi32, #tpu.memory_space<vmem>> -> memref<1x125xi32, #tpu.memory_space<vmem>>
        %dma_wait3A_156 = tpu.memref_squeeze %dma_wait3A_155 : memref<1x125xi32, #tpu.memory_space<vmem>> -> memref<125xi32, #tpu.memory_space<vmem>>
        %dma_wait3A_157 = arith.constant 0 : i32
        %dma_wait3A_158 = arith.constant 0 : i32
        %dma_wait3A_159 = tpu.memref_slice %arg12[%dma_wait3A_157, %dma_wait3A_158] : memref<10048x16xf32, #tpu.memory_space<vmem_shared>> -> memref<10048x16xf32, #tpu.memory_space<vmem_shared>>
        tpu.wait_indirect_dma semaphore(%arg20 : memref<!tpu.dma_semaphore, #tpu.memory_space<semaphore_mem>>) src(%arg11 : memref<125x16xf32, #tpu.memory_space<vmem>>) dst(%dma_wait3A_159 : memref<10048x16xf32, #tpu.memory_space<vmem_shared>>)
      } else {
      }
      %dma_start3A_79 = arith.constant 0 : i32
      %dma_start3A_80 = tpu.memref_slice %arg6[%add3A_64, %dma_start3A_79] : memref<80x125xi32, #tpu.memory_space<vmem>> -> memref<1x125xi32, #tpu.memory_space<vmem>>
      %dma_start3A_81 = tpu.memref_squeeze %dma_start3A_80 : memref<1x125xi32, #tpu.memory_space<vmem>> -> memref<125xi32, #tpu.memory_space<vmem>>
      %dma_start3A_82 = arith.constant 0 : i32
      %dma_start3A_83 = arith.constant 0 : i32
      %dma_start3A_84 = tpu.memref_slice %arg2[%dma_start3A_82, %dma_start3A_83] : memref<10048x16xf32, #tpu.memory_space<hbm>> -> memref<10048x16xf32, #tpu.memory_space<hbm>>
      tpu.enqueue_indirect_dma source(%dma_start3A_84 : memref<10048x16xf32, #tpu.memory_space<hbm>>) target(%arg11 : memref<125x16xf32, #tpu.memory_space<vmem>>) offsets(%dma_start3A_81 : memref<125xi32, #tpu.memory_space<vmem>>) semaphore(%arg16 : memref<!tpu.dma_semaphore, #tpu.memory_space<semaphore_mem>>)
      %mul3A_85 = arith.constant 4 : i32
      %mul3A_86 = arith.muli %mul3A_85, %scan3A_59 : i32
      %add3A_87 = arith.constant 1 : i32
      %add3A_88 = arith.addi %mul3A_86, %add3A_87 : i32
      %add3A_89 = arith.constant 3 : i32
      %add3A_90 = arith.addi %add3A_88, %add3A_89 : i32
      %dma_wait3A_91 = arith.constant 0 : i32
      %dma_wait3A_92 = tpu.memref_slice %arg6[%add3A_88, %dma_wait3A_91] : memref<80x125xi32, #tpu.memory_space<vmem>> -> memref<1x125xi32, #tpu.memory_space<vmem>>
      %dma_wait3A_93 = tpu.memref_squeeze %dma_wait3A_92 : memref<1x125xi32, #tpu.memory_space<vmem>> -> memref<125xi32, #tpu.memory_space<vmem>>
      %dma_wait3A_94 = arith.constant 0 : i32
      %dma_wait3A_95 = arith.constant 0 : i32
      %dma_wait3A_96 = tpu.memref_slice %arg2[%dma_wait3A_94, %dma_wait3A_95] : memref<10048x16xf32, #tpu.memory_space<hbm>> -> memref<10048x16xf32, #tpu.memory_space<hbm>>
      tpu.wait_indirect_dma semaphore(%arg14 : memref<!tpu.dma_semaphore, #tpu.memory_space<semaphore_mem>>) src(%dma_wait3A_96 : memref<10048x16xf32, #tpu.memory_space<hbm>>) dst(%arg9 : memref<125x16xf32, #tpu.memory_space<vmem>>)
      %dma_start3A_97 = arith.constant 0 : i32
      %dma_start3A_98 = tpu.memref_slice %arg7[%add3A_88, %dma_start3A_97] : memref<80x125xi32, #tpu.memory_space<vmem>> -> memref<1x125xi32, #tpu.memory_space<vmem>>
      %dma_start3A_99 = tpu.memref_squeeze %dma_start3A_98 : memref<1x125xi32, #tpu.memory_space<vmem>> -> memref<125xi32, #tpu.memory_space<vmem>>
      %dma_start3A_100 = arith.constant 0 : i32
      %dma_start3A_101 = arith.constant 0 : i32
      %dma_start3A_102 = tpu.memref_slice %arg12[%dma_start3A_100, %dma_start3A_101] : memref<10048x16xf32, #tpu.memory_space<vmem_shared>> -> memref<10048x16xf32, #tpu.memory_space<vmem_shared>>
      tpu.enqueue_indirect_dma source(%arg9 : memref<125x16xf32, #tpu.memory_space<vmem>>) target(%dma_start3A_102 : memref<10048x16xf32, #tpu.memory_space<vmem_shared>>) offsets(%dma_start3A_99 : memref<125xi32, #tpu.memory_space<vmem>>) semaphore(%arg18 : memref<!tpu.dma_semaphore, #tpu.memory_space<semaphore_mem>>) {add = true}
      %lt3A = arith.constant 19 : i32
      %lt3A_103 = arith.cmpi slt, %scan3A_59, %lt3A : i32
      %convert_element_type3A_104 = arith.extui %lt3A_103 : i1 to i32
      %cond3A_105 = arith.constant 0 : i32
      %cond3A_106 = arith.cmpi ne, %convert_element_type3A_104, %cond3A_105 : i32
      scf.if %cond3A_106 {
        %dma_wait3A_153 = arith.constant 0 : i32
        %dma_wait3A_154 = arith.constant 0 : i32
        %dma_wait3A_155 = tpu.memref_slice %arg7[%dma_wait3A_153, %dma_wait3A_154] : memref<80x125xi32, #tpu.memory_space<vmem>> -> memref<1x125xi32, #tpu.memory_space<vmem>>
        %dma_wait3A_156 = tpu.memref_squeeze %dma_wait3A_155 : memref<1x125xi32, #tpu.memory_space<vmem>> -> memref<125xi32, #tpu.memory_space<vmem>>
        %dma_wait3A_157 = arith.constant 0 : i32
        %dma_wait3A_158 = arith.constant 0 : i32
        %dma_wait3A_159 = tpu.memref_slice %arg12[%dma_wait3A_157, %dma_wait3A_158] : memref<10048x16xf32, #tpu.memory_space<vmem_shared>> -> memref<10048x16xf32, #tpu.memory_space<vmem_shared>>
        tpu.wait_indirect_dma semaphore(%arg17 : memref<!tpu.dma_semaphore, #tpu.memory_space<semaphore_mem>>) src(%arg8 : memref<125x16xf32, #tpu.memory_space<vmem>>) dst(%dma_wait3A_159 : memref<10048x16xf32, #tpu.memory_space<vmem_shared>>)
        %dma_start3A_160 = arith.constant 0 : i32
        %dma_start3A_161 = tpu.memref_slice %arg6[%add3A_90, %dma_start3A_160] : memref<80x125xi32, #tpu.memory_space<vmem>> -> memref<1x125xi32, #tpu.memory_space<vmem>>
        %dma_start3A_162 = tpu.memref_squeeze %dma_start3A_161 : memref<1x125xi32, #tpu.memory_space<vmem>> -> memref<125xi32, #tpu.memory_space<vmem>>
        %dma_start3A_163 = arith.constant 0 : i32
        %dma_start3A_164 = arith.constant 0 : i32
        %dma_start3A_165 = tpu.memref_slice %arg2[%dma_start3A_163, %dma_start3A_164] : memref<10048x16xf32, #tpu.memory_space<hbm>> -> memref<10048x16xf32, #tpu.memory_space<hbm>>
        tpu.enqueue_indirect_dma source(%dma_start3A_165 : memref<10048x16xf32, #tpu.memory_space<hbm>>) target(%arg8 : memref<125x16xf32, #tpu.memory_space<vmem>>) offsets(%dma_start3A_162 : memref<125xi32, #tpu.memory_space<vmem>>) semaphore(%arg13 : memref<!tpu.dma_semaphore, #tpu.memory_space<semaphore_mem>>)
      } else {
      }
      %mul3A_107 = arith.constant 4 : i32
      %mul3A_108 = arith.muli %mul3A_107, %scan3A_59 : i32
      %add3A_109 = arith.constant 2 : i32
      %add3A_110 = arith.addi %mul3A_108, %add3A_109 : i32
      %add3A_111 = arith.constant 3 : i32
      %add3A_112 = arith.addi %add3A_110, %add3A_111 : i32
      %dma_wait3A_113 = arith.constant 0 : i32
      %dma_wait3A_114 = tpu.memref_slice %arg6[%add3A_110, %dma_wait3A_113] : memref<80x125xi32, #tpu.memory_space<vmem>> -> memref<1x125xi32, #tpu.memory_space<vmem>>
      %dma_wait3A_115 = tpu.memref_squeeze %dma_wait3A_114 : memref<1x125xi32, #tpu.memory_space<vmem>> -> memref<125xi32, #tpu.memory_space<vmem>>
      %dma_wait3A_116 = arith.constant 0 : i32
      %dma_wait3A_117 = arith.constant 0 : i32
      %dma_wait3A_118 = tpu.memref_slice %arg2[%dma_wait3A_116, %dma_wait3A_117] : memref<10048x16xf32, #tpu.memory_space<hbm>> -> memref<10048x16xf32, #tpu.memory_space<hbm>>
      tpu.wait_indirect_dma semaphore(%arg15 : memref<!tpu.dma_semaphore, #tpu.memory_space<semaphore_mem>>) src(%dma_wait3A_118 : memref<10048x16xf32, #tpu.memory_space<hbm>>) dst(%arg10 : memref<125x16xf32, #tpu.memory_space<vmem>>)
      %dma_start3A_119 = arith.constant 0 : i32
      %dma_start3A_120 = tpu.memref_slice %arg7[%add3A_110, %dma_start3A_119] : memref<80x125xi32, #tpu.memory_space<vmem>> -> memref<1x125xi32, #tpu.memory_space<vmem>>
      %dma_start3A_121 = tpu.memref_squeeze %dma_start3A_120 : memref<1x125xi32, #tpu.memory_space<vmem>> -> memref<125xi32, #tpu.memory_space<vmem>>
      %dma_start3A_122 = arith.constant 0 : i32
      %dma_start3A_123 = arith.constant 0 : i32
      %dma_start3A_124 = tpu.memref_slice %arg12[%dma_start3A_122, %dma_start3A_123] : memref<10048x16xf32, #tpu.memory_space<vmem_shared>> -> memref<10048x16xf32, #tpu.memory_space<vmem_shared>>
      tpu.enqueue_indirect_dma source(%arg10 : memref<125x16xf32, #tpu.memory_space<vmem>>) target(%dma_start3A_124 : memref<10048x16xf32, #tpu.memory_space<vmem_shared>>) offsets(%dma_start3A_121 : memref<125xi32, #tpu.memory_space<vmem>>) semaphore(%arg19 : memref<!tpu.dma_semaphore, #tpu.memory_space<semaphore_mem>>) {add = true}
      %lt3A_125 = arith.constant 19 : i32
      %lt3A_126 = arith.cmpi slt, %scan3A_59, %lt3A_125 : i32
      %convert_element_type3A_127 = arith.extui %lt3A_126 : i1 to i32
      %cond3A_128 = arith.constant 0 : i32
      %cond3A_129 = arith.cmpi ne, %convert_element_type3A_127, %cond3A_128 : i32
      scf.if %cond3A_129 {
        %dma_wait3A_153 = arith.constant 0 : i32
        %dma_wait3A_154 = arith.constant 0 : i32
        %dma_wait3A_155 = tpu.memref_slice %arg7[%dma_wait3A_153, %dma_wait3A_154] : memref<80x125xi32, #tpu.memory_space<vmem>> -> memref<1x125xi32, #tpu.memory_space<vmem>>
        %dma_wait3A_156 = tpu.memref_squeeze %dma_wait3A_155 : memref<1x125xi32, #tpu.memory_space<vmem>> -> memref<125xi32, #tpu.memory_space<vmem>>
        %dma_wait3A_157 = arith.constant 0 : i32
        %dma_wait3A_158 = arith.constant 0 : i32
        %dma_wait3A_159 = tpu.memref_slice %arg12[%dma_wait3A_157, %dma_wait3A_158] : memref<10048x16xf32, #tpu.memory_space<vmem_shared>> -> memref<10048x16xf32, #tpu.memory_space<vmem_shared>>
        tpu.wait_indirect_dma semaphore(%arg18 : memref<!tpu.dma_semaphore, #tpu.memory_space<semaphore_mem>>) src(%arg9 : memref<125x16xf32, #tpu.memory_space<vmem>>) dst(%dma_wait3A_159 : memref<10048x16xf32, #tpu.memory_space<vmem_shared>>)
        %dma_start3A_160 = arith.constant 0 : i32
        %dma_start3A_161 = tpu.memref_slice %arg6[%add3A_112, %dma_start3A_160] : memref<80x125xi32, #tpu.memory_space<vmem>> -> memref<1x125xi32, #tpu.memory_space<vmem>>
        %dma_start3A_162 = tpu.memref_squeeze %dma_start3A_161 : memref<1x125xi32, #tpu.memory_space<vmem>> -> memref<125xi32, #tpu.memory_space<vmem>>
        %dma_start3A_163 = arith.constant 0 : i32
        %dma_start3A_164 = arith.constant 0 : i32
        %dma_start3A_165 = tpu.memref_slice %arg2[%dma_start3A_163, %dma_start3A_164] : memref<10048x16xf32, #tpu.memory_space<hbm>> -> memref<10048x16xf32, #tpu.memory_space<hbm>>
        tpu.enqueue_indirect_dma source(%dma_start3A_165 : memref<10048x16xf32, #tpu.memory_space<hbm>>) target(%arg9 : memref<125x16xf32, #tpu.memory_space<vmem>>) offsets(%dma_start3A_162 : memref<125xi32, #tpu.memory_space<vmem>>) semaphore(%arg14 : memref<!tpu.dma_semaphore, #tpu.memory_space<semaphore_mem>>)
      } else {
      }
      %mul3A_130 = arith.constant 4 : i32
      %mul3A_131 = arith.muli %mul3A_130, %scan3A_59 : i32
      %add3A_132 = arith.constant 3 : i32
      %add3A_133 = arith.addi %mul3A_131, %add3A_132 : i32
      %add3A_134 = arith.constant 3 : i32
      %add3A_135 = arith.addi %add3A_133, %add3A_134 : i32
      %dma_wait3A_136 = arith.constant 0 : i32
      %dma_wait3A_137 = tpu.memref_slice %arg6[%add3A_133, %dma_wait3A_136] : memref<80x125xi32, #tpu.memory_space<vmem>> -> memref<1x125xi32, #tpu.memory_space<vmem>>
      %dma_wait3A_138 = tpu.memref_squeeze %dma_wait3A_137 : memref<1x125xi32, #tpu.memory_space<vmem>> -> memref<125xi32, #tpu.memory_space<vmem>>
      %dma_wait3A_139 = arith.constant 0 : i32
      %dma_wait3A_140 = arith.constant 0 : i32
      %dma_wait3A_141 = tpu.memref_slice %arg2[%dma_wait3A_139, %dma_wait3A_140] : memref<10048x16xf32, #tpu.memory_space<hbm>> -> memref<10048x16xf32, #tpu.memory_space<hbm>>
      tpu.wait_indirect_dma semaphore(%arg16 : memref<!tpu.dma_semaphore, #tpu.memory_space<semaphore_mem>>) src(%dma_wait3A_141 : memref<10048x16xf32, #tpu.memory_space<hbm>>) dst(%arg11 : memref<125x16xf32, #tpu.memory_space<vmem>>)
      %dma_start3A_142 = arith.constant 0 : i32
      %dma_start3A_143 = tpu.memref_slice %arg7[%add3A_133, %dma_start3A_142] : memref<80x125xi32, #tpu.memory_space<vmem>> -> memref<1x125xi32, #tpu.memory_space<vmem>>
      %dma_start3A_144 = tpu.memref_squeeze %dma_start3A_143 : memref<1x125xi32, #tpu.memory_space<vmem>> -> memref<125xi32, #tpu.memory_space<vmem>>
      %dma_start3A_145 = arith.constant 0 : i32
      %dma_start3A_146 = arith.constant 0 : i32
      %dma_start3A_147 = tpu.memref_slice %arg12[%dma_start3A_145, %dma_start3A_146] : memref<10048x16xf32, #tpu.memory_space<vmem_shared>> -> memref<10048x16xf32, #tpu.memory_space<vmem_shared>>
      tpu.enqueue_indirect_dma source(%arg11 : memref<125x16xf32, #tpu.memory_space<vmem>>) target(%dma_start3A_147 : memref<10048x16xf32, #tpu.memory_space<vmem_shared>>) offsets(%dma_start3A_144 : memref<125xi32, #tpu.memory_space<vmem>>) semaphore(%arg20 : memref<!tpu.dma_semaphore, #tpu.memory_space<semaphore_mem>>) {add = true}
      %lt3A_148 = arith.constant 19 : i32
      %lt3A_149 = arith.cmpi slt, %scan3A_59, %lt3A_148 : i32
      %convert_element_type3A_150 = arith.extui %lt3A_149 : i1 to i32
      %cond3A_151 = arith.constant 0 : i32
      %cond3A_152 = arith.cmpi ne, %convert_element_type3A_150, %cond3A_151 : i32
      scf.if %cond3A_152 {
        %dma_wait3A_153 = arith.constant 0 : i32
        %dma_wait3A_154 = arith.constant 0 : i32
        %dma_wait3A_155 = tpu.memref_slice %arg7[%dma_wait3A_153, %dma_wait3A_154] : memref<80x125xi32, #tpu.memory_space<vmem>> -> memref<1x125xi32, #tpu.memory_space<vmem>>
        %dma_wait3A_156 = tpu.memref_squeeze %dma_wait3A_155 : memref<1x125xi32, #tpu.memory_space<vmem>> -> memref<125xi32, #tpu.memory_space<vmem>>
        %dma_wait3A_157 = arith.constant 0 : i32
        %dma_wait3A_158 = arith.constant 0 : i32
        %dma_wait3A_159 = tpu.memref_slice %arg12[%dma_wait3A_157, %dma_wait3A_158] : memref<10048x16xf32, #tpu.memory_space<vmem_shared>> -> memref<10048x16xf32, #tpu.memory_space<vmem_shared>>
        tpu.wait_indirect_dma semaphore(%arg19 : memref<!tpu.dma_semaphore, #tpu.memory_space<semaphore_mem>>) src(%arg10 : memref<125x16xf32, #tpu.memory_space<vmem>>) dst(%dma_wait3A_159 : memref<10048x16xf32, #tpu.memory_space<vmem_shared>>)
        %dma_start3A_160 = arith.constant 0 : i32
        %dma_start3A_161 = tpu.memref_slice %arg6[%add3A_135, %dma_start3A_160] : memref<80x125xi32, #tpu.memory_space<vmem>> -> memref<1x125xi32, #tpu.memory_space<vmem>>
        %dma_start3A_162 = tpu.memref_squeeze %dma_start3A_161 : memref<1x125xi32, #tpu.memory_space<vmem>> -> memref<125xi32, #tpu.memory_space<vmem>>
        %dma_start3A_163 = arith.constant 0 : i32
        %dma_start3A_164 = arith.constant 0 : i32
        %dma_start3A_165 = tpu.memref_slice %arg2[%dma_start3A_163, %dma_start3A_164] : memref<10048x16xf32, #tpu.memory_space<hbm>> -> memref<10048x16xf32, #tpu.memory_space<hbm>>
        tpu.enqueue_indirect_dma source(%dma_start3A_165 : memref<10048x16xf32, #tpu.memory_space<hbm>>) target(%arg10 : memref<125x16xf32, #tpu.memory_space<vmem>>) offsets(%dma_start3A_162 : memref<125xi32, #tpu.memory_space<vmem>>) semaphore(%arg15 : memref<!tpu.dma_semaphore, #tpu.memory_space<semaphore_mem>>)
      } else {
      }
    }
    %scan3A_26 = arith.constant 20 : i32
    %dma_wait3A = arith.constant 0 : i32
    %dma_wait3A_27 = arith.constant 0 : i32
    %dma_wait3A_28 = tpu.memref_slice %arg7[%dma_wait3A, %dma_wait3A_27] : memref<80x125xi32, #tpu.memory_space<vmem>> -> memref<1x125xi32, #tpu.memory_space<vmem>>
    %dma_wait3A_29 = tpu.memref_squeeze %dma_wait3A_28 : memref<1x125xi32, #tpu.memory_space<vmem>> -> memref<125xi32, #tpu.memory_space<vmem>>
    %dma_wait3A_30 = arith.constant 0 : i32
    %dma_wait3A_31 = arith.constant 0 : i32
    %dma_wait3A_32 = tpu.memref_slice %arg12[%dma_wait3A_30, %dma_wait3A_31] : memref<10048x16xf32, #tpu.memory_space<vmem_shared>> -> memref<10048x16xf32, #tpu.memory_space<vmem_shared>>
    tpu.wait_indirect_dma semaphore(%arg17 : memref<!tpu.dma_semaphore, #tpu.memory_space<semaphore_mem>>) src(%arg8 : memref<125x16xf32, #tpu.memory_space<vmem>>) dst(%dma_wait3A_32 : memref<10048x16xf32, #tpu.memory_space<vmem_shared>>)
    %dma_wait3A_33 = arith.constant 0 : i32
    %dma_wait3A_34 = arith.constant 0 : i32
    %dma_wait3A_35 = tpu.memref_slice %arg7[%dma_wait3A_33, %dma_wait3A_34] : memref<80x125xi32, #tpu.memory_space<vmem>> -> memref<1x125xi32, #tpu.memory_space<vmem>>
    %dma_wait3A_36 = tpu.memref_squeeze %dma_wait3A_35 : memref<1x125xi32, #tpu.memory_space<vmem>> -> memref<125xi32, #tpu.memory_space<vmem>>
    %dma_wait3A_37 = arith.constant 0 : i32
    %dma_wait3A_38 = arith.constant 0 : i32
    %dma_wait3A_39 = tpu.memref_slice %arg12[%dma_wait3A_37, %dma_wait3A_38] : memref<10048x16xf32, #tpu.memory_space<vmem_shared>> -> memref<10048x16xf32, #tpu.memory_space<vmem_shared>>
    tpu.wait_indirect_dma semaphore(%arg18 : memref<!tpu.dma_semaphore, #tpu.memory_space<semaphore_mem>>) src(%arg9 : memref<125x16xf32, #tpu.memory_space<vmem>>) dst(%dma_wait3A_39 : memref<10048x16xf32, #tpu.memory_space<vmem_shared>>)
    %dma_wait3A_40 = arith.constant 0 : i32
    %dma_wait3A_41 = arith.constant 0 : i32
    %dma_wait3A_42 = tpu.memref_slice %arg7[%dma_wait3A_40, %dma_wait3A_41] : memref<80x125xi32, #tpu.memory_space<vmem>> -> memref<1x125xi32, #tpu.memory_space<vmem>>
    %dma_wait3A_43 = tpu.memref_squeeze %dma_wait3A_42 : memref<1x125xi32, #tpu.memory_space<vmem>> -> memref<125xi32, #tpu.memory_space<vmem>>
    %dma_wait3A_44 = arith.constant 0 : i32
    %dma_wait3A_45 = arith.constant 0 : i32
    %dma_wait3A_46 = tpu.memref_slice %arg12[%dma_wait3A_44, %dma_wait3A_45] : memref<10048x16xf32, #tpu.memory_space<vmem_shared>> -> memref<10048x16xf32, #tpu.memory_space<vmem_shared>>
    tpu.wait_indirect_dma semaphore(%arg19 : memref<!tpu.dma_semaphore, #tpu.memory_space<semaphore_mem>>) src(%arg10 : memref<125x16xf32, #tpu.memory_space<vmem>>) dst(%dma_wait3A_46 : memref<10048x16xf32, #tpu.memory_space<vmem_shared>>)
    %dma_wait3A_47 = arith.constant 0 : i32
    %dma_wait3A_48 = arith.constant 0 : i32
    %dma_wait3A_49 = tpu.memref_slice %arg7[%dma_wait3A_47, %dma_wait3A_48] : memref<80x125xi32, #tpu.memory_space<vmem>> -> memref<1x125xi32, #tpu.memory_space<vmem>>
    %dma_wait3A_50 = tpu.memref_squeeze %dma_wait3A_49 : memref<1x125xi32, #tpu.memory_space<vmem>> -> memref<125xi32, #tpu.memory_space<vmem>>
    %dma_wait3A_51 = arith.constant 0 : i32
    %dma_wait3A_52 = arith.constant 0 : i32
    %dma_wait3A_53 = tpu.memref_slice %arg12[%dma_wait3A_51, %dma_wait3A_52] : memref<10048x16xf32, #tpu.memory_space<vmem_shared>> -> memref<10048x16xf32, #tpu.memory_space<vmem_shared>>
    tpu.wait_indirect_dma semaphore(%arg20 : memref<!tpu.dma_semaphore, #tpu.memory_space<semaphore_mem>>) src(%arg11 : memref<125x16xf32, #tpu.memory_space<vmem>>) dst(%dma_wait3A_53 : memref<10048x16xf32, #tpu.memory_space<vmem_shared>>)
    %barrier3A_54 = arith.constant 0 : index
    tpu.barrier barrier_id(%barrier3A_54)
    %mul3A_55 = arith.constant 628 : i32
    %mul3A_56 = arith.muli %arg1, %mul3A_55 : i32
    %mul3A_57 = arith.constant 628 : i32
    %mul3A_58 = arith.muli %arg1, %mul3A_57 : i32
    "tpu.region"() ({
      %run_scoped3A_59 = tpu.sem_alloc : memref<!tpu.dma_semaphore, #tpu.memory_space<semaphore_mem>>
      %dma_start3A_60 = arith.constant 0 : i32
      %dma_start3A_61 = tpu.memref_slice %arg5[%arg0, %mul3A_58, %dma_start3A_60] : memref<2x10048x16xf32, #tpu.memory_space<hbm>> -> memref<1x628x16xf32, #tpu.memory_space<hbm>>
      %dma_start3A_62 = tpu.memref_squeeze %dma_start3A_61 : memref<1x628x16xf32, #tpu.memory_space<hbm>> -> memref<628x16xf32, #tpu.memory_space<hbm>>
      %dma_start3A_63 = arith.constant 0 : i32
      %dma_start3A_64 = tpu.memref_slice %arg12[%mul3A_56, %dma_start3A_63] : memref<10048x16xf32, #tpu.memory_space<vmem_shared>> -> memref<628x16xf32, #tpu.memory_space<vmem_shared>>
      tpu.enqueue_dma source(%dma_start3A_64 : memref<628x16xf32, #tpu.memory_space<vmem_shared>>) target(%dma_start3A_62 : memref<628x16xf32, #tpu.memory_space<hbm>>) target_semaphore(%run_scoped3A_59 : memref<!tpu.dma_semaphore, #tpu.memory_space<semaphore_mem>>)
      %dma_wait3A_65 = arith.constant 0 : i32
      %dma_wait3A_66 = tpu.memref_slice %arg5[%arg0, %mul3A_58, %dma_wait3A_65] : memref<2x10048x16xf32, #tpu.memory_space<hbm>> -> memref<1x628x16xf32, #tpu.memory_space<hbm>>
      %dma_wait3A_67 = tpu.memref_squeeze %dma_wait3A_66 : memref<1x628x16xf32, #tpu.memory_space<hbm>> -> memref<628x16xf32, #tpu.memory_space<hbm>>
      %dma_wait3A_68 = arith.constant 0 : i32
      %dma_wait3A_69 = tpu.memref_slice %arg12[%mul3A_56, %dma_wait3A_68] : memref<10048x16xf32, #tpu.memory_space<vmem_shared>> -> memref<628x16xf32, #tpu.memory_space<vmem_shared>>
      tpu.wait_dma2 semaphore(%run_scoped3A_59 : memref<!tpu.dma_semaphore, #tpu.memory_space<semaphore_mem>>) src(%dma_wait3A_69 : memref<628x16xf32, #tpu.memory_space<vmem_shared>>) dst(%dma_wait3A_67 : memref<628x16xf32, #tpu.memory_space<hbm>>)
      tpu.yield
    }) : () -> ()
    return
  }
}

module attributes {stable_mosaic.version = 14 : i64} {
  func.func @_k1_body(%arg0: memref<1256x1024xf32, #tpu.memory_space<vmem>>, %arg1: memref<2x1256x128xf32, #tpu.memory_space<vmem>>, %arg2: memref<1024x128xf32, #tpu.memory_space<vmem>>, %arg3: memref<1256x128xf32, #tpu.memory_space<vmem>>) attributes {dimension_semantics = [], scalar_prefetch = 0 : i64, scratch_operands = 0 : i64, tpu.core_type = #tpu.core_type<tc>} {
    %get3A = arith.constant 0 : index
    %get3A_0 = arith.constant 0 : index
    %get3A_1 = vector.load %arg0[%get3A, %get3A_0] : memref<1256x1024xf32, #tpu.memory_space<vmem>>, vector<1256x1024xf32>
    %get3A_2 = arith.constant 0 : index
    %get3A_3 = arith.constant 0 : index
    %get3A_4 = vector.load %arg2[%get3A_2, %get3A_3] : memref<1024x128xf32, #tpu.memory_space<vmem>>, vector<1024x128xf32>
    %dot_general3A = arith.constant dense<0.000000e+00> : vector<1256x128xf32>
    %dot_general3A_5 = tpu.matmul %get3A_1, %get3A_4, %dot_general3A {dimension_numbers = #tpu.dot_dimension_numbers<[1], [0], [0], [1], [0, 0, 1, 1], [], []>, transpose_lhs_hint = false} : vector<1256x1024xf32>, vector<1024x128xf32>, vector<1256x128xf32> -> vector<1256x128xf32>
    %get3A_6 = arith.constant 0 : index
    %get3A_7 = arith.constant 0 : index
    %get3A_8 = arith.constant 0 : index
    %get3A_9 = vector.load %arg1[%get3A_6, %get3A_7, %get3A_8] : memref<2x1256x128xf32, #tpu.memory_space<vmem>>, vector<1x1256x128xf32>
    %get3A_10 = vector.shape_cast %get3A_9 : vector<1x1256x128xf32> to vector<1256x128xf32>
    %get3A_11 = arith.constant 1 : index
    %get3A_12 = arith.constant 0 : index
    %get3A_13 = arith.constant 0 : index
    %get3A_14 = vector.load %arg1[%get3A_11, %get3A_12, %get3A_13] : memref<2x1256x128xf32, #tpu.memory_space<vmem>>, vector<1x1256x128xf32>
    %get3A_15 = vector.shape_cast %get3A_14 : vector<1x1256x128xf32> to vector<1256x128xf32>
    %add3A = arith.addf %get3A_10, %get3A_15 : vector<1256x128xf32>
    %add3A_16 = arith.constant 1.000000e+00 : f32
    %add3A_17 = vector.broadcast %add3A_16 : f32 to vector<1256x128xf32>
    %add3A_18 = arith.addf %add3A, %add3A_17 : vector<1256x128xf32>
    %rsqrt3A = math.rsqrt %add3A_18 : vector<1256x128xf32>
    %mul3A = arith.mulf %rsqrt3A, %dot_general3A_5 : vector<1256x128xf32>
    %swap3A = arith.constant 0 : index
    %swap3A_19 = arith.constant 0 : index
    %swap3A_20 = vector.load %arg3[%swap3A, %swap3A_19] : memref<1256x128xf32, #tpu.memory_space<vmem>>, vector<1256x128xf32>
    tpu.vector_store %arg3[%swap3A, %swap3A_19], %mul3A {strides = array<i32>} : memref<1256x128xf32, #tpu.memory_space<vmem>>, vector<1256x128xf32>,
    return
  }
}

module attributes {stable_mosaic.version = 14 : i64} {
  func.func @_k2_body(%arg0: memref<2x1256x128xf32, #tpu.memory_space<vmem>>, %arg1: memref<1256x128xf32, #tpu.memory_space<vmem>>, %arg2: memref<2x1256x128xf32, #tpu.memory_space<vmem>>, %arg3: memref<1x128xf32, #tpu.memory_space<vmem>>, %arg4: memref<128x128xf32, #tpu.memory_space<vmem>>, %arg5: memref<1256x128xf32, #tpu.memory_space<vmem>>) attributes {dimension_semantics = [], scalar_prefetch = 0 : i64, scratch_operands = 0 : i64, tpu.core_type = #tpu.core_type<tc>} {
    %get3A = arith.constant 0 : index
    %get3A_0 = arith.constant 0 : index
    %get3A_1 = arith.constant 0 : index
    %get3A_2 = vector.load %arg2[%get3A, %get3A_0, %get3A_1] : memref<2x1256x128xf32, #tpu.memory_space<vmem>>, vector<1x1256x128xf32>
    %get3A_3 = vector.shape_cast %get3A_2 : vector<1x1256x128xf32> to vector<1256x128xf32>
    %get3A_4 = arith.constant 1 : index
    %get3A_5 = arith.constant 0 : index
    %get3A_6 = arith.constant 0 : index
    %get3A_7 = vector.load %arg2[%get3A_4, %get3A_5, %get3A_6] : memref<2x1256x128xf32, #tpu.memory_space<vmem>>, vector<1x1256x128xf32>
    %get3A_8 = vector.shape_cast %get3A_7 : vector<1x1256x128xf32> to vector<1256x128xf32>
    %add3A = arith.addf %get3A_3, %get3A_8 : vector<1256x128xf32>
    %add3A_9 = arith.constant 1.000000e+00 : f32
    %add3A_10 = vector.broadcast %add3A_9 : f32 to vector<1256x128xf32>
    %add3A_11 = arith.addf %add3A, %add3A_10 : vector<1256x128xf32>
    %rsqrt3A = math.rsqrt %add3A_11 : vector<1256x128xf32>
    %get3A_12 = arith.constant 0 : index
    %get3A_13 = arith.constant 0 : index
    %get3A_14 = arith.constant 0 : index
    %get3A_15 = vector.load %arg0[%get3A_12, %get3A_13, %get3A_14] : memref<2x1256x128xf32, #tpu.memory_space<vmem>>, vector<1x1256x128xf32>
    %get3A_16 = vector.shape_cast %get3A_15 : vector<1x1256x128xf32> to vector<1256x128xf32>
    %get3A_17 = arith.constant 1 : index
    %get3A_18 = arith.constant 0 : index
    %get3A_19 = arith.constant 0 : index
    %get3A_20 = vector.load %arg0[%get3A_17, %get3A_18, %get3A_19] : memref<2x1256x128xf32, #tpu.memory_space<vmem>>, vector<1x1256x128xf32>
    %get3A_21 = vector.shape_cast %get3A_20 : vector<1x1256x128xf32> to vector<1256x128xf32>
    %add3A_22 = arith.addf %get3A_16, %get3A_21 : vector<1256x128xf32>
    %get3A_23 = arith.constant 0 : index
    %get3A_24 = arith.constant 0 : index
    %get3A_25 = vector.load %arg1[%get3A_23, %get3A_24] : memref<1256x128xf32, #tpu.memory_space<vmem>>, vector<1256x128xf32>
    %add3A_26 = arith.addf %add3A_22, %get3A_25 : vector<1256x128xf32>
    %mul3A = arith.mulf %rsqrt3A, %add3A_26 : vector<1256x128xf32>
    %get3A_27 = arith.constant 0 : index
    %get3A_28 = arith.constant 0 : index
    %get3A_29 = vector.load %arg3[%get3A_27, %get3A_28] : memref<1x128xf32, #tpu.memory_space<vmem>>, vector<1x128xf32>
    %add3A_30 = vector.broadcast %get3A_29 : vector<1x128xf32> to vector<1256x128xf32>
    %add3A_31 = arith.addf %mul3A, %add3A_30 : vector<1256x128xf32>
    %max3A = arith.constant 0.000000e+00 : f32
    %max3A_32 = vector.broadcast %max3A : f32 to vector<1256x128xf32>
    %max3A_33 = arith.maximumf %add3A_31, %max3A_32 : vector<1256x128xf32>
    %get3A_34 = arith.constant 0 : index
    %get3A_35 = arith.constant 0 : index
    %get3A_36 = vector.load %arg4[%get3A_34, %get3A_35] : memref<128x128xf32, #tpu.memory_space<vmem>>, vector<128x128xf32>
    %dot_general3A = arith.constant dense<0.000000e+00> : vector<1256x128xf32>
    %dot_general3A_37 = tpu.matmul %max3A_33, %get3A_36, %dot_general3A {dimension_numbers = #tpu.dot_dimension_numbers<[1], [0], [0], [1], [0, 0, 1, 1], [], []>, transpose_lhs_hint = false} : vector<1256x128xf32>, vector<128x128xf32>, vector<1256x128xf32> -> vector<1256x128xf32>
    %mul3A_38 = arith.mulf %rsqrt3A, %dot_general3A_37 : vector<1256x128xf32>
    %swap3A = arith.constant 0 : index
    %swap3A_39 = arith.constant 0 : index
    %swap3A_40 = vector.load %arg5[%swap3A, %swap3A_39] : memref<1256x128xf32, #tpu.memory_space<vmem>>, vector<1256x128xf32>
    tpu.vector_store %arg5[%swap3A, %swap3A_39], %mul3A_38 {strides = array<i32>} : memref<1256x128xf32, #tpu.memory_space<vmem>>, vector<1256x128xf32>,
    return
  }
}

module attributes {stable_mosaic.version = 14 : i64} {
  func.func @_k3_body(%arg0: memref<2x1256x128xf32, #tpu.memory_space<vmem>>, %arg1: memref<1256x128xf32, #tpu.memory_space<vmem>>, %arg2: memref<2x1256x128xf32, #tpu.memory_space<vmem>>, %arg3: memref<1x128xf32, #tpu.memory_space<vmem>>, %arg4: memref<128x128xf32, #tpu.memory_space<vmem>>, %arg5: memref<128x128xf32, #tpu.memory_space<vmem>>, %arg6: memref<1256x128xf32, #tpu.memory_space<vmem>>) attributes {dimension_semantics = [], scalar_prefetch = 0 : i64, scratch_operands = 0 : i64, tpu.core_type = #tpu.core_type<tc>} {
    %get3A = arith.constant 0 : index
    %get3A_0 = arith.constant 0 : index
    %get3A_1 = arith.constant 0 : index
    %get3A_2 = vector.load %arg2[%get3A, %get3A_0, %get3A_1] : memref<2x1256x128xf32, #tpu.memory_space<vmem>>, vector<1x1256x128xf32>
    %get3A_3 = vector.shape_cast %get3A_2 : vector<1x1256x128xf32> to vector<1256x128xf32>
    %get3A_4 = arith.constant 1 : index
    %get3A_5 = arith.constant 0 : index
    %get3A_6 = arith.constant 0 : index
    %get3A_7 = vector.load %arg2[%get3A_4, %get3A_5, %get3A_6] : memref<2x1256x128xf32, #tpu.memory_space<vmem>>, vector<1x1256x128xf32>
    %get3A_8 = vector.shape_cast %get3A_7 : vector<1x1256x128xf32> to vector<1256x128xf32>
    %add3A = arith.addf %get3A_3, %get3A_8 : vector<1256x128xf32>
    %add3A_9 = arith.constant 1.000000e+00 : f32
    %add3A_10 = vector.broadcast %add3A_9 : f32 to vector<1256x128xf32>
    %add3A_11 = arith.addf %add3A, %add3A_10 : vector<1256x128xf32>
    %rsqrt3A = math.rsqrt %add3A_11 : vector<1256x128xf32>
    %get3A_12 = arith.constant 0 : index
    %get3A_13 = arith.constant 0 : index
    %get3A_14 = arith.constant 0 : index
    %get3A_15 = vector.load %arg0[%get3A_12, %get3A_13, %get3A_14] : memref<2x1256x128xf32, #tpu.memory_space<vmem>>, vector<1x1256x128xf32>
    %get3A_16 = vector.shape_cast %get3A_15 : vector<1x1256x128xf32> to vector<1256x128xf32>
    %get3A_17 = arith.constant 1 : index
    %get3A_18 = arith.constant 0 : index
    %get3A_19 = arith.constant 0 : index
    %get3A_20 = vector.load %arg0[%get3A_17, %get3A_18, %get3A_19] : memref<2x1256x128xf32, #tpu.memory_space<vmem>>, vector<1x1256x128xf32>
    %get3A_21 = vector.shape_cast %get3A_20 : vector<1x1256x128xf32> to vector<1256x128xf32>
    %add3A_22 = arith.addf %get3A_16, %get3A_21 : vector<1256x128xf32>
    %get3A_23 = arith.constant 0 : index
    %get3A_24 = arith.constant 0 : index
    %get3A_25 = vector.load %arg1[%get3A_23, %get3A_24] : memref<1256x128xf32, #tpu.memory_space<vmem>>, vector<1256x128xf32>
    %add3A_26 = arith.addf %add3A_22, %get3A_25 : vector<1256x128xf32>
    %mul3A = arith.mulf %rsqrt3A, %add3A_26 : vector<1256x128xf32>
    %get3A_27 = arith.constant 0 : index
    %get3A_28 = arith.constant 0 : index
    %get3A_29 = vector.load %arg3[%get3A_27, %get3A_28] : memref<1x128xf32, #tpu.memory_space<vmem>>, vector<1x128xf32>
    %add3A_30 = vector.broadcast %get3A_29 : vector<1x128xf32> to vector<1256x128xf32>
    %add3A_31 = arith.addf %mul3A, %add3A_30 : vector<1256x128xf32>
    %get3A_32 = arith.constant 0 : index
    %get3A_33 = arith.constant 0 : index
    %get3A_34 = vector.load %arg4[%get3A_32, %get3A_33] : memref<128x128xf32, #tpu.memory_space<vmem>>, vector<128x128xf32>
    %dot_general3A = arith.constant dense<0.000000e+00> : vector<1256x128xf32>
    %dot_general3A_35 = tpu.matmul %add3A_31, %get3A_34, %dot_general3A {dimension_numbers = #tpu.dot_dimension_numbers<[1], [0], [0], [1], [0, 0, 1, 1], [], []>, transpose_lhs_hint = false} : vector<1256x128xf32>, vector<128x128xf32>, vector<1256x128xf32> -> vector<1256x128xf32>
    %sub3A = arith.subf %add3A_31, %dot_general3A_35 : vector<1256x128xf32>
    %exp3A = math.exp %sub3A : vector<1256x128xf32>
    %get3A_36 = arith.constant 0 : index
    %get3A_37 = arith.constant 0 : index
    %get3A_38 = vector.load %arg5[%get3A_36, %get3A_37] : memref<128x128xf32, #tpu.memory_space<vmem>>, vector<128x128xf32>
    %dot_general3A_39 = arith.constant dense<0.000000e+00> : vector<1256x128xf32>
    %dot_general3A_40 = tpu.matmul %exp3A, %get3A_38, %dot_general3A_39 {dimension_numbers = #tpu.dot_dimension_numbers<[1], [0], [0], [1], [0, 0, 1, 1], [], []>, transpose_lhs_hint = false} : vector<1256x128xf32>, vector<128x128xf32>, vector<1256x128xf32> -> vector<1256x128xf32>
    %log3A = math.log %dot_general3A_40 : vector<1256x128xf32>
    %sub3A_41 = arith.subf %sub3A, %log3A : vector<1256x128xf32>
    %swap3A = arith.constant 0 : index
    %swap3A_42 = arith.constant 0 : index
    %swap3A_43 = vector.load %arg6[%swap3A, %swap3A_42] : memref<1256x128xf32, #tpu.memory_space<vmem>>, vector<1256x128xf32>
    tpu.vector_store %arg6[%swap3A, %swap3A_42], %sub3A_41 {strides = array<i32>} : memref<1256x128xf32, #tpu.memory_space<vmem>>, vector<1256x128xf32>,
    return
  }
}

</mosaic_0001>

<sc_bundles>
// kernel: kernel.11.cloned.1.call-start
scs
__scs_entry_jumppad:
0x0: {  	(pc) =	sbr.rel $0x88, $3  }
0x1: {  	(tag) =	ssettag $0x0;
	lr =	simm.s32 $0x1  }
0x2: {  	[smem:$0x3F9B] =	sst lr;
	_ =	strace $0xD0000000  }
0x3: {  	_ = 	snop  }
0x4: {  	_ = 	snop  }
0x5: {  	_ = 	snop  }
0x6: {  	_ = 	snop  }
0x7: {  	_ = 	snop  }
__scs_overlays_trampoline_lowered:
0x8: {  	[smem:$0x3FAA] =	sst s0  }
0x9: {  	[smem:$0x3FAB] =	sst s1  }
0xa: {  	[smem:$0x3FAC] =	sst s2  }
0xb: {  	[smem:$0x3FAD] =	sst s3  }
0xc: {  	[smem:$0x3FAE] =	sst s4  }
0xd: {  	[smem:$0x3FAF] =	sst s5  }
0xe: {  	[smem:$0x3FB0] =	sst s6  }
0xf: {  	[smem:$0x3FB1] =	sst s7  }
0x10: {  	[smem:$0x3FB2] =	sst s8  }
0x11: {  	[smem:$0x3FB3] =	sst s9;
	s0 =	simm.s32 @!p0 $0x0  }
0x12: {  	s1 =	sld [smem:$0x3F99];
	s0 =	simm.s32 @p0 $0x1  }
0x13: {  	[smem:$0x3FB4] =	sst s0;
	s0 =	simm.s32 @!p1 $0x0  }
0x14: {  	s2 =	sld [smem:$0x3F98];
	s0 =	simm.s32 @p1 $0x1  }
0x15: {  	[smem:$0x3FB5] =	sst s0;
	s0 =	simm.s32 @!p2 $0x0  }
0x16: {  	s3 =	sld [smem:$0x3FDB];
	s0 =	simm.s32 @p2 $0x1  }
0x17: {  	s4 =	simm.s32 $0x1BF5;
	[smem:$0x3FB7] =	sst s0  }
0x18: {  	s0 =	sld [smem:$0x3F9A];
	_ =	swait.ge [sflag:s4], $0x0  }
0x19: {  	s7 =	sld [smem:$0x3F9B]  }
0x1a: {  	s8 =	sadd.s32 $0xFFFFE003, lr  }
0x1b: {  	s9 =	sadd.s32 $0xFFFFFEF7, lr;
	s5 =	simm.s32 $0xFFFFFFFF;
	p2 =	slt.u32 s8, $0xFFFFF086  }
0x1c: {  	p1 =	slt.u32 s9, $0xF7A;
	s5 =	simm.s32 @!p2 $0x0  }
0x1d: {  	s5 =	simm.s32 @p1 $0x1;
	p0 =	seq.s32 s7, s2  }
0x1e: {  	s7 =	smul.u32 @!p0 $0xF7A, s2;
	p2 =	seq.s32 @!p0 s5, $0x0  }
0x1f: {  	s9 =	smul.u32 $0xF7A, s1;
	s8 =	simm.s32 @!p0 $0x1BF5;
	p2 =	por !p2, p0  }
0x20: {  	[sflag:s8] =	ssyncset.s32 @!p0 $0xFFFFF086;
	s6 =	sadd.s32 @!p0 s3, s7;
	s7 =	simm.s32 @!p0 $0x108  }
0x21: {  	s3 =	sadd.s32 s3, s9;
	s6 =	sadd.s32 @!p0 $0x88, s6;
	s7 =	simm.s32 @p2 $0x1082  }
0x22: {  	[simem:s7], [sflag:s8] =	dma.local @!p0 [hbm:s6], $0xF7A  }
0x23: {  	s9 =	sor.u32 $0xD0000000, s2;
	s6 =	simm.s32 $0x108;
	_ =	swait.ge @!p0 [sflag:s8], $0x0  }
0x24: {  	s3 =	sadd.s32 $0x88, s3;
	s6 =	simm.s32 @!p1 $0x1082;
	[sflag:s4] =	ssyncset.s32 $0xFFFFF086  }
0x25: {  	[simem:s6], [sflag:s4] =	dma.local [hbm:s3], $0xF7A  }
0x26: {  	[smem:$0x3F9B] =	sst s1;
	(tag) =	ssettag s2;
	_ =	strace s9  }
0x27: {  	s1 =	sld [smem:$0x3FAB]  }
0x28: {  	s2 =	sld [smem:$0x3FAC]  }
0x29: {  	s4 =	sld [smem:$0x3FAE]  }
0x2a: {  	p0 =	seq.s32 s5, $0x0;
	s5 =	sld [smem:$0x3FAF]  }
0x2b: {  	s6 =	sld [smem:$0x3FB0]  }
0x2c: {  	s7 =	sld [smem:$0x3FB1]  }
0x2d: {  	s3 =	simm.s32 $0x108;
	s8 =	sld [smem:$0x3FB2]  }
0x2e: {  	s3 =	simm.s32 @!p0 $0x1082;
	s9 =	sld [smem:$0x3FB3]  }
0x2f: {  	lr =	sadd.s32 s0, s3;
	s0 =	sld [smem:$0x3FAA]  }
0x30: {  	s3 =	sld [smem:$0x3FAD]  }
0x31: {  	[smem:$0x3FB6] =	sst s10  }
0x32: {  	s10 =	sld [smem:$0x3FB4];
	_ =	sdelay $0x3  }
0x33: {  	p0 =	seq.s32 s10, $0x1;
	s10 =	sld [smem:$0x3FB6];
	_ =	sdelay $0x3  }
0x34: {  	[smem:$0x3FB6] =	sst s10  }
0x35: {  	s10 =	sld [smem:$0x3FB5];
	_ =	sdelay $0x3  }
0x36: {  	p1 =	seq.s32 s10, $0x1;
	s10 =	sld [smem:$0x3FB6];
	_ =	sdelay $0x3  }
0x37: {  	[smem:$0x3FB6] =	sst s10  }
0x38: {  	s10 =	sld [smem:$0x3FB7]  }
0x39: {  	_ = 	snop;
	(pc) =	sbr.ind lr, $3  }
0x3a: {  	_ = 	snop  }
0x3b: {  	_ = 	snop  }
0x3c: {  	p2 =	seq.s32 s10, $0x1;
	s10 =	sld [smem:$0x3FB6]  }
0x3d: {  	_ =	shalt  }
0x3e: {  	_ =	shalt  }
0x3f: {  	_ =	shalt  }
0x40: {  	_ =	shalt  }
0x41: {  	_ =	shalt  }
0x42: {  	_ =	shalt  }
0x43: {  	_ =	shalt  }
0x44: {  	_ =	shalt  }
0x45: {  	_ =	shalt  }
0x46: {  	_ =	shalt  }
0x47: {  	_ =	shalt  }
0x48: {  	_ =	shalt  }
0x49: {  	_ =	shalt  }
0x4a: {  	_ =	shalt  }
0x4b: {  	_ =	shalt  }
0x4c: {  	_ =	shalt  }
0x4d: {  	_ =	shalt  }
0x4e: {  	_ =	shalt  }
0x4f: {  	_ =	shalt  }
0x50: {  	_ =	shalt  }
0x51: {  	_ =	shalt  }
0x52: {  	_ =	shalt  }
0x53: {  	_ =	shalt  }
0x54: {  	_ =	shalt  }
0x55: {  	_ =	shalt  }
0x56: {  	_ =	shalt  }
0x57: {  	_ =	shalt  }
0x58: {  	_ =	shalt  }
0x59: {  	_ =	shalt  }
0x5a: {  	_ =	shalt  }
0x5b: {  	_ =	shalt  }
0x5c: {  	_ =	shalt  }
0x5d: {  	_ =	shalt  }
0x5e: {  	_ =	shalt  }
0x5f: {  	_ =	shalt  }
0x60: {  	_ =	shalt  }
0x61: {  	_ =	shalt  }
0x62: {  	_ =	shalt  }
0x63: {  	_ =	shalt  }
0x64: {  	_ =	shalt  }
0x65: {  	_ =	shalt  }
0x66: {  	_ =	shalt  }
0x67: {  	_ =	shalt  }
0x68: {  	_ =	shalt  }
0x69: {  	_ =	shalt  }
0x6a: {  	_ =	shalt  }
0x6b: {  	_ =	shalt  }
0x6c: {  	_ =	shalt  }
0x6d: {  	_ =	shalt  }
0x6e: {  	_ =	shalt  }
0x6f: {  	_ =	shalt  }
0x70: {  	_ =	shalt  }
0x71: {  	_ =	shalt  }
0x72: {  	_ =	shalt  }
0x73: {  	_ =	shalt  }
0x74: {  	_ =	shalt  }
0x75: {  	_ =	shalt  }
0x76: {  	_ =	shalt  }
0x77: {  	_ =	shalt  }
0x78: {  	_ =	shalt  }
0x79: {  	_ =	shalt  }
0x7a: {  	_ =	shalt  }
0x7b: {  	_ =	shalt  }
0x7c: {  	_ =	shalt  }
0x7d: {  	_ =	shalt  }
0x7e: {  	_ =	shalt  }
0x7f: {  	_ =	shalt  }
0x80: {  	_ =	shalt  }
0x81: {  	_ =	shalt  }
0x82: {  	_ =	shalt  }
0x83: {  	_ =	shalt  }
0x84: {  	_ =	shalt  }
0x85: {  	_ =	shalt  }
0x86: {  	_ =	shalt  }
0x87: {  	_ =	shalt  }
.Lfunc_end0:
.L_simem_size_0:
called_computation.1_lowered:
.L_overlay_start_0:
0x88: {  	s2 =	sld [smem:$0x3FD9]  }
0x89: {  	s3 =	sld [smem:$0x3FFE];
	_ =	sdelay $0x1  }
0x8a: {  	s1 =	srdreg.scid  }
0x8b: {  	s0 =	sand.u32 $0x1, s1  }
0x8c: {  	s17 =	sshll.u32 s0, $0xA;
	s2 =	sadd.s32 s3, s2  }
0x8d: {  	s2 =	sadd.s32 s2, s17  }
0x8e: {  	[smem:$0x3FC2] =	sst s2  }
0x8f: {  	_ = 	snop  }
0x90: {  	s2 =	sld [smem:$0x3FD0];
	(tm) =	ssettm $0x1  }
0x91: {  	s18 =	sld [smem:$0x3FFB];
	_ =	sdelay $0x3  }
0x92: {  	_ =	strace s18  }
0x93: {  	s3 =	sld [smem:$0x3FFC];
	_ =	sdelay $0x3  }
0x94: {  	_ =	strace s3  }
0x95: {  	s3 =	sld [smem:$0x3FFD];
	_ =	sdelay $0x3  }
0x96: {  	_ =	strace s3  }
0x97: {  	_ =	strace $0x8FFFFFFF  }
0x98: {  	s19 =	sld [smem:$0x3FDB];
	_ =	sdelay $0x1  }
0x99: {  	s4 =	simm.s32 $_scs_section_size  }
0x9a: {  	s5 =	simm.s32 $_size__tile_overlayer_lowered;
	s6 =	simm.s32 $_tile_overlayer_lowered  }
0x9b: {  	s22 =	simm.s32 $0x1BFF;
	s21 =	sshll.u32 s6, $0x1;
	s3 =	sadd.s32 s4, s19  }
0x9c: {  	s7 =	simm.s32 $0x0;
	s20 =	sshll.u32 s5, $0x1;
	s5 =	sadd.s32 s21, s3  }
0x9d: {  	[timem:s7], [sflag:s22] =	dma.local [hbm:s5], s20  }
0x9e: {  	_ =	swait.ge [sflag:s22], s20  }
0x9f: {  	s4 =	ssub.s32 $0x0, s20;
	[sflag:s22] =	ssyncset.done $0x0  }
0xa0: {  	[sflag:s22] =	ssyncadd.s32 s4;
	_ =	sdelay $0x1  }
0xa1: {  	s23 =	simm.s32 $0x1B8B  }
0xa2: {  	_ =	swait.ge [sflag:s23], $0x1  }
0xa3: {  	[sflag:s23] =	ssyncset.done $0x0  }
0xa4: {  	s25 =	simm.s32 $0x1B8E;
	s24 =	sld [smem:$0x3FFE];
	[sflag:s23] =	ssyncadd.s32 $0xFFFFFFFF  }
0xa5: {  	s26 =	simm.s32 $execute0_lowered;
	[smem:$0x3FD2] =	sst s25  }
0xa6: {  	s5 =	sshll.u32 s26, $0x1;
	_ =	strace $0x80000049;
	[dreg:$0x1] =	wrdreg $0xFFFFFFFF  }
0xa7: {  	s28 =	simm.s32 $_size_execute0_lowered;
	s3 =	sadd.s32 s3, s5;
	[dreg:$0x0] =	wrdreg $0x0  }
0xa8: {  	s5 =	sshll.u32 s28, $0x1;
	[dreg:$0x2] =	wrdreg s3  }
0xa9: {  	[dreg:$0x3] =	wrdreg s5  }
0xaa: {  	[dreg:$0x4] =	wrdreg $0xC0  }
0xab: {  	_ =	task [dreg:s7], $0x5FFFF  }
0xac: {  	[dreg:$0x1] =	wrdreg $0xFFFFFFFF  }
0xad: {  	[dreg:$0x0] =	wrdreg $0x60  }
0xae: {  	[dreg:$0x2] =	wrdreg s24  }
0xaf: {  	[dreg:$0x3] =	wrdreg s2  }
0xb0: {  	[dreg:$0x4] =	wrdreg $0x6F400  }
0xb1: {  	[dreg:$0x5] =	wrdreg $0x9  }
0xb2: {  	_ =	task.clear_ibuf [dreg:s7], $0x6FFFF;
	_ =	strace $0x90000049  }
0xb3: {  	s29 =	simm.s32 $0x9;
	_ =	strace $0x8000004B  }
0xb4: {  	_ =	swait.ge [sflag:s29], $0x1  }
0xb5: {  	[sflag:s29] =	ssyncadd.s32 $0xFFFFFFFF  }
0xb6: {  	_ =	strace $0x9000004B  }
0xb7: {  	_ =	sfence  }
0xb8: {  	s30 =	sld [smem:$0x0];
	_ =	sdelay $0x2  }
0xb9: {  	s31 =	sshll.u32 s1, $0xD;
	s1 =	sshrl.u32 s1, $0x2  }
0xba: {  	s3 =	sand.u32 $0x4000, s31;
	s1 =	sadd.s32 s1, s30  }
0xbb: {  	s0 =	sor.u32 s3, s0;
	s1 =	sshll.u32 s1, $0x11  }
0xbc: {  	s0 =	sor.u32 s1, s0  }
0xbd: {  	s0 =	sadd.s32 $0x8F2B, s0  }
0xbe: {  	[sflag:s0] =	ssyncadd.remote.s32 $0x1  }
0xbf: {  	_ =	sfence.sel $0xFFFF  }
0xc0: {  	[dreg:$0x0] =	wrdreg $0xFFFFFFFF;
	(pc) =	sbr.abs _section_cstart, $3  }
0xc1: {  	[dreg:$0x1] =	wrdreg $0xFFFFFFFF  }
0xc2: {  	_ =	task.clear_ibuf [dreg:s7], $0x2FFFF;
	_ =	strace $0x9FFFFFFF  }
0xc3: {  	(tm) =	ssettm $0x7FFFFFFF  }
tec
execute0_lowered:
.L_overlay_start_1:
0x0: {  	(tag) =	ssettag $0x1  }
0x1: {  	s0 =	rddreg [dreg:$0x0];
	s1 =	srdreg.scid  }
0x2: {  	s8 =	stileid.u32;
	s3 =	rddreg [dreg:$0x2];
	s4 =	simm.s32 $0x0  }
0x3: {  	s12 =	simm.s32 $0x9;
	s13 =	simm.s32 $0x2800;
	s14 =	simm.s32 $0x7D  }
0x4: {  	s15 =	simm.s32 $0x5000;
	s17 =	simm.s32 $0x57D0;
	s19 =	simm.s32 $0x5FA0  }
0x5: {  	s20 =	simm.s32 $0x1;
	s22 =	simm.s32 $0x6770;
	s23 =	simm.s32 $0x2  }
0x6: {  	s25 =	simm.s32 $0x5;
	s28 =	simm.s32 $0x3;
	s5 =	smul.u32 $0x2800, s8  }
0x7: {  	s30 =	simm.s32 $0x6;
	s1 =	sand.u32 $0x1, s1;
	s6 =	smul.u32 $0x2740, s8  }
0x8: {  	s18 =	simm.s32 $0x8;
	s21 =	simm.s32 $0x0;
	s2 =	smul.u32 $0x28000, s1  }
0x9: {  	[smem:$0x7FF] =	sst s4;
	s7 =	smul.u32 $0x27400, s1;
	s1 =	ssub.s32 $0x2, s1  }
0xa: {  	s8 =	sshll.u32 s8, $0x6;
	_ =	strace $0x8000004A;
	s31 =	sshrl.u32 s1, $0x1  }
0xb: {  	s11 =	sadd.s32 s6, s3;
	s2 =	sadd.s32 s5, s2;
	s5 =	sadd.s32 $0x16A00, s0  }
.Ltmp0:
0xc: {  	s7 =	sadd.s32 s6, s7;
	s1 =	ssub.s32 s1, s31;
	(pc) =	sbr.rel .LBB2_1-.Ltmp0, $4  }
0xd: {  	s6 =	sor.u32 $0x1C09, s8;
	s11 =	sshrl.u32 s11, $0x3;
	s2 =	sshrl.u32 s2, $0x3  }
0xe: {  	s7 =	sshrl.u32 s7, $0x3;
	s10 =	smax.u32 s1, $0x1;
	s2 =	sadd.s32 s2, s0  }
0xf: {  	s1 =	simm.s32 $0x4;
	s0 =	sadd.s32 s7, s0;
	s7 =	sadd.s32 $0x2A00, s2  }
0x10: {  	s8 =	sadd.s32 $0xCA00, s2;
	s9 =	sadd.s32 $0x1BA00, s0;
	s2 =	simm.s32 $0x7  }
.LBB2_4:
0x11: {  	_ =	swait.ge [sflag:s25], $0x7D0  }
0x12: {  	[sflag:s25] =	ssyncset.done $0x0  }
0x13: {  	[sflag:s25] =	ssyncadd.s32 $0xFFFFF830  }
0x14: {  	_ =	swait.ge [sflag:s30], $0x7D0  }
0x15: {  	[sflag:s30] =	ssyncset.done $0x0  }
0x16: {  	[sflag:s30] =	ssyncadd.s32 $0xFFFFF830  }
0x17: {  	_ =	swait.ge [sflag:s2], $0x7D0  }
0x18: {  	[sflag:s2] =	ssyncset.done $0x0  }
0x19: {  	[sflag:s2] =	ssyncadd.s32 $0xFFFFF830  }
0x1a: {  	_ =	swait.ge [sflag:s18], $0x7D0  }
0x1b: {  	s21 =	sadd.s32 $0x1, s21;
	[sflag:s18] =	ssyncset.done $0x0  }
0x1c: {  	p0 =	sne.s32 s21, s10;
	[sflag:s18] =	ssyncadd.s32 $0xFFFFF830  }
.Ltmp1:
0x1d: {  	[bflag:$0x0] =	sbarrier.arrive $0xFFFF;
	(pc) =	sbr.rel @!p0 .LBB2_5-.Ltmp1, $4  }
0x1e: {  	[hbm:s9], [sflag:s6] =	dma.local [spmem:s11], $0x4E8  }
0x1f: {  	_ =	swait.ge [sflag:s12], $0x4E8  }
0x20: {  	[sflag:s12] =	ssyncset.done $0x0  }
0x21: {  	[sflag:s12] =	ssyncadd.s32 $0xFFFFFB18  }
.LBB2_1:
0x22: {  	s0 =	rddreg [dreg:$0x1]  }
0x23: {  	[spmem:s11], [sflag:s6] =	dma.local [hbm:s0], $0x4E8  }
0x24: {  	_ =	swait.ge [sflag:s12], $0x4E8  }
0x25: {  	[sflag:s12] =	ssyncset.done $0x0  }
0x26: {  	[sflag:s12] =	ssyncadd.s32 $0xFFFFFB18  }
0x27: {  	[tilespmem:s4], [sflag:$0x9] =	stream.linear.gather [hbm4b:s7+s4], $0x2800, $0x38;
	[tilespmem:$0x9680] =	vst v63  }
0x28: {  	_ =	swait.ge [sflag:s12], $0x2800  }
0x29: {  	[sflag:s12] =	ssyncset.done $0x0  }
0x2a: {  	[sflag:s12] =	ssyncadd.s32 $0xFFFFD800  }
0x2b: {  	[tilespmem:s13], [sflag:$0x9] =	stream.linear.gather [hbm4b:s8+s4], $0x2800, $0x38;
	[tilespmem:$0x9680] =	vst v63  }
0x2c: {  	_ =	swait.ge [sflag:s12], $0x2800  }
0x2d: {  	[sflag:s12] =	ssyncset.done $0x0  }
0x2e: {  	[sflag:s12] =	ssyncadd.s32 $0xFFFFD800  }
0x2f: {  	[bflag:$0x0] =	sbarrier.arrive $0xFFFF  }
0x30: {  	[tilespmem:s15], [sflag:$0x1] =	stream.indirect.gather [hbm4b:s5+s14], $0x10, s4, s14, $0xb8;
	[tilespmem:$0x9680] =	vst v63  }
0x31: {  	s24 =	simm.s32 $0x80  }
0x32: {  	[tilespmem:s17], [sflag:$0x2] =	stream.indirect.gather [hbm4b:s5+s14], $0x10, s24, s14, $0xb8;
	[tilespmem:$0x9680] =	vst v63  }
0x33: {  	s26 =	simm.s32 $0x100  }
0x34: {  	[tilespmem:s19], [sflag:$0x3] =	stream.indirect.gather [hbm4b:s5+s14], $0x10, s26, s14, $0xb8;
	[tilespmem:$0x9680] =	vst v63  }
0x35: {  	_ =	swait.ge [sflag:s20], $0x7D0  }
0x36: {  	[sflag:s20] =	ssyncset.done $0x0  }
0x37: {  	[sflag:s20] =	ssyncadd.s32 $0xFFFFF830  }
0x38: {  	[spmem:s3] =	stream.indirect.scatter.add.f32 [tilespmem:s15], [sflag:$0x5], $0x10, s13, s14, $0xb8;
	[tilespmem:$0x9680] =	vst v63  }
0x39: {  	s29 =	simm.s32 $0x180  }
0x3a: {  	[tilespmem:s22], [sflag:$0x4] =	stream.indirect.gather [hbm4b:s5+s14], $0x10, s29, s14, $0xb8;
	[tilespmem:$0x9680] =	vst v63  }
0x3b: {  	_ =	swait.ge [sflag:s23], $0x7D0  }
0x3c: {  	[sflag:s23] =	ssyncset.done $0x0  }
0x3d: {  	s31 =	simm.s32 $0x2880;
	[sflag:s23] =	ssyncadd.s32 $0xFFFFF830  }
0x3e: {  	[spmem:s3] =	stream.indirect.scatter.add.f32 [tilespmem:s17], [sflag:$0x6], $0x10, s31, s14, $0xb8;
	[tilespmem:$0x9680] =	vst v63  }
0x3f: {  	_ =	swait.ge [sflag:s25], $0x7D0  }
0x40: {  	[sflag:s25] =	ssyncset.done $0x0  }
0x41: {  	s16 =	simm.s32 $0x200;
	[sflag:s25] =	ssyncadd.s32 $0xFFFFF830  }
0x42: {  	[tilespmem:s15], [sflag:$0x1] =	stream.indirect.gather [hbm4b:s5+s14], $0x10, s16, s14, $0xb8;
	[tilespmem:$0x9680] =	vst v63  }
0x43: {  	_ =	swait.ge [sflag:s28], $0x7D0  }
0x44: {  	[sflag:s28] =	ssyncset.done $0x0  }
0x45: {  	s24 =	simm.s32 $0x2900;
	[sflag:s28] =	ssyncadd.s32 $0xFFFFF830  }
0x46: {  	[spmem:s3] =	stream.indirect.scatter.add.f32 [tilespmem:s19], [sflag:$0x7], $0x10, s24, s14, $0xb8;
	[tilespmem:$0x9680] =	vst v63  }
0x47: {  	_ =	swait.ge [sflag:s30], $0x7D0  }
0x48: {  	[sflag:s30] =	ssyncset.done $0x0  }
0x49: {  	s26 =	simm.s32 $0x280;
	[sflag:s30] =	ssyncadd.s32 $0xFFFFF830  }
0x4a: {  	[tilespmem:s17], [sflag:$0x2] =	stream.indirect.gather [hbm4b:s5+s14], $0x10, s26, s14, $0xb8;
	[tilespmem:$0x9680] =	vst v63  }
0x4b: {  	_ =	swait.ge [sflag:s1], $0x7D0  }
0x4c: {  	[sflag:s1] =	ssyncset.done $0x0  }
0x4d: {  	s29 =	simm.s32 $0x2980;
	[sflag:s1] =	ssyncadd.s32 $0xFFFFF830  }
0x4e: {  	[spmem:s3] =	stream.indirect.scatter.add.f32 [tilespmem:s22], [sflag:$0x8], $0x10, s29, s14, $0xb8;
	[tilespmem:$0x9680] =	vst v63  }
0x4f: {  	_ =	swait.ge [sflag:s2], $0x7D0  }
0x50: {  	[sflag:s2] =	ssyncset.done $0x0  }
0x51: {  	s31 =	simm.s32 $0x300;
	s24 =	simm.s32 $0x0;
	[sflag:s2] =	ssyncadd.s32 $0xFFFFF830  }
0x52: {  	[tilespmem:s19], [sflag:$0x3] =	stream.indirect.gather [hbm4b:s5+s14], $0x10, s31, s14, $0xb8;
	[tilespmem:$0x9680] =	vst v63  }
.LBB2_2:
0x53: {  	_ =	swait.ge [sflag:s20], $0x7D0  }
0x54: {  	s26 =	sshra.s32 s24, $0x2;
	[sflag:s20] =	ssyncset.done $0x0  }
0x55: {  	s29 =	sadd.s32 $0x2A00, s26;
	[sflag:s20] =	ssyncadd.s32 $0xFFFFF830  }
0x56: {  	[spmem:s3] =	stream.indirect.scatter.add.f32 [tilespmem:s15], [sflag:$0x5], $0x10, s29, s14, $0xb8;
	[tilespmem:$0x9680] =	vst v63  }
0x57: {  	_ =	swait.ge [sflag:s18], $0x7D0  }
0x58: {  	[sflag:s18] =	ssyncset.done $0x0  }
0x59: {  	s0 =	sadd.s32 $0x380, s26;
	[sflag:s18] =	ssyncadd.s32 $0xFFFFF830  }
0x5a: {  	[tilespmem:s22], [sflag:$0x4] =	stream.indirect.gather [hbm4b:s5+s14], $0x10, s0, s14, $0xb8;
	[tilespmem:$0x9680] =	vst v63  }
0x5b: {  	_ =	swait.ge [sflag:s23], $0x7D0  }
0x5c: {  	p0 =	seq.s32 s24, $0x9000;
	[sflag:s23] =	ssyncset.done $0x0  }
0x5d: {  	s16 =	sadd.s32 $0x2A80, s26;
	s29 =	simm.s32 @p0 $0x3;
	[sflag:s23] =	ssyncadd.s32 $0xFFFFF830  }
0x5e: {  	[spmem:s3] =	stream.indirect.scatter.add.f32 [tilespmem:s17], [sflag:$0x6], $0x10, s16, s14, $0xb8;
	[tilespmem:$0x9680] =	vst v63  }
0x5f: {  	_ =	swait.ge @p0 [sflag:s29], $0x7D0  }
0x60: {  	[sflag:s29] =	ssyncset.done @p0 $0x0  }
0x61: {  	[sflag:s29] =	ssyncadd.s32 @p0 $0xFFFFF830;
	s29 =	sshra.s32 @p0 s24, $0x2  }
0x62: {  	s31 =	simm.s32 @p0 $0x7D;
	s0 =	simm.s32 @p0 $0x5FA0;
	s29 =	sadd.s32 @p0 $0x2B00, s29  }
0x63: {  	[spmem:s3] =	stream.indirect.scatter.add.f32 @p0 [tilespmem:s0], [sflag:$0x7], $0x10, s29, s31, $0xb8;
	[tilespmem:$0x9680] =	vst v63  }
0x64: {  	s0 =	simm.s32 @!p0 $0x5  }
0x65: {  	_ =	swait.ge @!p0 [sflag:s0], $0x7D0  }
0x66: {  	[sflag:s0] =	ssyncset.done @!p0 $0x0  }
0x67: {  	[sflag:s0] =	ssyncadd.s32 @!p0 $0xFFFFF830;
	s0 =	sshra.s32 @!p0 s24, $0x2  }
0x68: {  	s16 =	simm.s32 @!p0 $0x5000;
	s31 =	simm.s32 @!p0 $0x7D;
	s29 =	sadd.s32 @!p0 $0x400, s0  }
0x69: {  	[tilespmem:s16], [sflag:$0x1] =	stream.indirect.gather @!p0 [hbm4b:s5+s31], $0x10, s29, s31, $0xb8;
	[tilespmem:$0x9680] =	vst v63  }
0x6a: {  	s16 =	simm.s32 @!p0 $0x3  }
0x6b: {  	_ =	swait.ge @!p0 [sflag:s16], $0x7D0  }
0x6c: {  	[sflag:s16] =	ssyncset.done @!p0 $0x0  }
0x6d: {  	s29 =	simm.s32 @!p0 $0x5FA0;
	[sflag:s16] =	ssyncadd.s32 @!p0 $0xFFFFF830;
	s16 =	sadd.s32 @!p0 $0x2B00, s0  }
0x6e: {  	[spmem:s3] =	stream.indirect.scatter.add.f32 @!p0 [tilespmem:s29], [sflag:$0x7], $0x10, s16, s31, $0xb8;
	[tilespmem:$0x9680] =	vst v63  }
0x6f: {  	s16 =	simm.s32 @!p0 $0x6  }
0x70: {  	_ =	swait.ge @!p0 [sflag:s16], $0x7D0  }
0x71: {  	[sflag:s16] =	ssyncset.done @!p0 $0x0  }
0x72: {  	s0 =	sadd.s32 @!p0 $0x480, s0;
	[sflag:s16] =	ssyncadd.s32 @!p0 $0xFFFFF830;
	s16 =	simm.s32 @!p0 $0x57D0  }
0x73: {  	[tilespmem:s16], [sflag:$0x2] =	stream.indirect.gather @!p0 [hbm4b:s5+s31], $0x10, s0, s31, $0xb8;
	[tilespmem:$0x9680] =	vst v63  }
.Ltmp2:
0x74: {  	_ = 	snop;
	(pc) =	sbr.rel @p0 .LBB2_4-.Ltmp2, $4  }
0x75: {  	_ =	swait.ge [sflag:s1], $0x7D0  }
0x76: {  	[sflag:s1] =	ssyncset.done $0x0  }
0x77: {  	s31 =	sadd.s32 $0x2B80, s26;
	[sflag:s1] =	ssyncadd.s32 $0xFFFFF830  }
0x78: {  	[spmem:s3] =	stream.indirect.scatter.add.f32 [tilespmem:s22], [sflag:$0x8], $0x10, s31, s14, $0xb8;
	[tilespmem:$0x9680] =	vst v63  }
.Ltmp3:
0x79: {  	(pc) =	sbr.rel .LBB2_2-.Ltmp3, $4  }
0x7a: {  	_ =	swait.ge [sflag:s2], $0x7D0  }
0x7b: {  	[sflag:s2] =	ssyncset.done $0x0  }
0x7c: {  	s0 =	sadd.s32 $0x500, s26;
	s24 =	sadd.s32 $0x800, s24;
	[sflag:s2] =	ssyncadd.s32 $0xFFFFF830  }
0x7d: {  	[tilespmem:s19], [sflag:$0x3] =	stream.indirect.gather [hbm4b:s5+s14], $0x10, s0, s14, $0xb8;
	[tilespmem:$0x9680] =	vst v63  }
.LBB2_5:
0x7e: {  	_ =	sfence.sel $0x180000  }
0x7f: {  	[bflag:$0x0] =	sbarrier.arrive $0xFFFF  }
0x80: {  	_ =	strace $0x9000004A  }
0x81: {  	s0 =	stileid.u32;
	[bflag:$0x2] =	sbarrier.arrive $0xFFFF  }
0x82: {  	p0 =	sne.s32 s0, $0x0;
	s0 =	rddreg [dreg:$0x3]  }
0x83: {  	s0 =	sadd.s32 @!p0 $0x100000, s0  }
0x84: {  	[sflag:s0] =	ssyncadd.tile.s32 @!p0 $0x1;
	_ =	shalt  }
.Lfunc_end2:
_tile_overlayer_lowered:
.L_overlay_start_2:
0x85: {  	(tag) =	ssettag $0x2  }
0x86: {  	s0 =	rddreg [dreg:$0x0];
	s2 =	stileid.u32  }
0x87: {  	s1 =	rddreg [dreg:$0x1];
	p0 =	sne.s32 s2, $0x0  }
0x88: {  	s3 =	rddreg [dreg:$0x2];
	[bflag:$0x3] =	sbarrier.arrive $0xFFFF;
	s2 =	simm.s32 @!p0 $0x1C09  }
0x89: {  	[timem:s3], [sflag:s2] =	dma.local @!p0 [hbm:s0], s1  }
0x8a: {  	s0 =	simm.s32 @!p0 $0x9  }
0x8b: {  	_ =	swait.ge @!p0 [sflag:s0], s1  }
0x8c: {  	s1 =	ssub.s32 @!p0 $0x0, s1;
	[sflag:s0] =	ssyncset.done @!p0 $0x0  }
0x8d: {  	[sflag:s0] =	ssyncadd.s32 @!p0 s1  }
0x8e: {  	[bflag:$0x3] =	sbarrier.arrive $0xFFFF  }
0x8f: {  	_ =	shalt  }

// kernel: kernel.14.cloned.1.call-start
scs
__scs_entry_jumppad:
0x0: {  	(pc) =	sbr.rel $0x88, $3  }
0x1: {  	(tag) =	ssettag $0x0;
	lr =	simm.s32 $0x1  }
0x2: {  	[smem:$0x3F9B] =	sst lr;
	_ =	strace $0xD0000000  }
0x3: {  	_ = 	snop  }
0x4: {  	_ = 	snop  }
0x5: {  	_ = 	snop  }
0x6: {  	_ = 	snop  }
0x7: {  	_ = 	snop  }
__scs_overlays_trampoline_lowered:
0x8: {  	[smem:$0x3FAA] =	sst s0  }
0x9: {  	[smem:$0x3FAB] =	sst s1  }
0xa: {  	[smem:$0x3FAC] =	sst s2  }
0xb: {  	[smem:$0x3FAD] =	sst s3  }
0xc: {  	[smem:$0x3FAE] =	sst s4  }
0xd: {  	[smem:$0x3FAF] =	sst s5  }
0xe: {  	[smem:$0x3FB0] =	sst s6  }
0xf: {  	[smem:$0x3FB1] =	sst s7  }
0x10: {  	[smem:$0x3FB2] =	sst s8  }
0x11: {  	[smem:$0x3FB3] =	sst s9;
	s0 =	simm.s32 @!p0 $0x0  }
0x12: {  	s1 =	sld [smem:$0x3F99];
	s0 =	simm.s32 @p0 $0x1  }
0x13: {  	[smem:$0x3FB4] =	sst s0;
	s0 =	simm.s32 @!p1 $0x0  }
0x14: {  	s2 =	sld [smem:$0x3F98];
	s0 =	simm.s32 @p1 $0x1  }
0x15: {  	[smem:$0x3FB5] =	sst s0;
	s0 =	simm.s32 @!p2 $0x0  }
0x16: {  	s3 =	sld [smem:$0x3FDB];
	s0 =	simm.s32 @p2 $0x1  }
0x17: {  	s4 =	simm.s32 $0x1BF5;
	[smem:$0x3FB7] =	sst s0  }
0x18: {  	s0 =	sld [smem:$0x3F9A];
	_ =	swait.ge [sflag:s4], $0x0  }
0x19: {  	s7 =	sld [smem:$0x3F9B]  }
0x1a: {  	s8 =	sadd.s32 $0xFFFFE003, lr  }
0x1b: {  	s9 =	sadd.s32 $0xFFFFFEF7, lr;
	s5 =	simm.s32 $0xFFFFFFFF;
	p2 =	slt.u32 s8, $0xFFFFF086  }
0x1c: {  	p1 =	slt.u32 s9, $0xF7A;
	s5 =	simm.s32 @!p2 $0x0  }
0x1d: {  	s5 =	simm.s32 @p1 $0x1;
	p0 =	seq.s32 s7, s2  }
0x1e: {  	s7 =	smul.u32 @!p0 $0xF7A, s2;
	p2 =	seq.s32 @!p0 s5, $0x0  }
0x1f: {  	s9 =	smul.u32 $0xF7A, s1;
	s8 =	simm.s32 @!p0 $0x1BF5;
	p2 =	por !p2, p0  }
0x20: {  	[sflag:s8] =	ssyncset.s32 @!p0 $0xFFFFF086;
	s6 =	sadd.s32 @!p0 s3, s7;
	s7 =	simm.s32 @!p0 $0x108  }
0x21: {  	s3 =	sadd.s32 s3, s9;
	s6 =	sadd.s32 @!p0 $0x88, s6;
	s7 =	simm.s32 @p2 $0x1082  }
0x22: {  	[simem:s7], [sflag:s8] =	dma.local @!p0 [hbm:s6], $0xF7A  }
0x23: {  	s9 =	sor.u32 $0xD0000000, s2;
	s6 =	simm.s32 $0x108;
	_ =	swait.ge @!p0 [sflag:s8], $0x0  }
0x24: {  	s3 =	sadd.s32 $0x88, s3;
	s6 =	simm.s32 @!p1 $0x1082;
	[sflag:s4] =	ssyncset.s32 $0xFFFFF086  }
0x25: {  	[simem:s6], [sflag:s4] =	dma.local [hbm:s3], $0xF7A  }
0x26: {  	[smem:$0x3F9B] =	sst s1;
	(tag) =	ssettag s2;
	_ =	strace s9  }
0x27: {  	s1 =	sld [smem:$0x3FAB]  }
0x28: {  	s2 =	sld [smem:$0x3FAC]  }
0x29: {  	s4 =	sld [smem:$0x3FAE]  }
0x2a: {  	p0 =	seq.s32 s5, $0x0;
	s5 =	sld [smem:$0x3FAF]  }
0x2b: {  	s6 =	sld [smem:$0x3FB0]  }
0x2c: {  	s7 =	sld [smem:$0x3FB1]  }
0x2d: {  	s3 =	simm.s32 $0x108;
	s8 =	sld [smem:$0x3FB2]  }
0x2e: {  	s3 =	simm.s32 @!p0 $0x1082;
	s9 =	sld [smem:$0x3FB3]  }
0x2f: {  	lr =	sadd.s32 s0, s3;
	s0 =	sld [smem:$0x3FAA]  }
0x30: {  	s3 =	sld [smem:$0x3FAD]  }
0x31: {  	[smem:$0x3FB6] =	sst s10  }
0x32: {  	s10 =	sld [smem:$0x3FB4];
	_ =	sdelay $0x3  }
0x33: {  	p0 =	seq.s32 s10, $0x1;
	s10 =	sld [smem:$0x3FB6];
	_ =	sdelay $0x3  }
0x34: {  	[smem:$0x3FB6] =	sst s10  }
0x35: {  	s10 =	sld [smem:$0x3FB5];
	_ =	sdelay $0x3  }
0x36: {  	p1 =	seq.s32 s10, $0x1;
	s10 =	sld [smem:$0x3FB6];
	_ =	sdelay $0x3  }
0x37: {  	[smem:$0x3FB6] =	sst s10  }
0x38: {  	s10 =	sld [smem:$0x3FB7]  }
0x39: {  	_ = 	snop;
	(pc) =	sbr.ind lr, $3  }
0x3a: {  	_ = 	snop  }
0x3b: {  	_ = 	snop  }
0x3c: {  	p2 =	seq.s32 s10, $0x1;
	s10 =	sld [smem:$0x3FB6]  }
0x3d: {  	_ =	shalt  }
0x3e: {  	_ =	shalt  }
0x3f: {  	_ =	shalt  }
0x40: {  	_ =	shalt  }
0x41: {  	_ =	shalt  }
0x42: {  	_ =	shalt  }
0x43: {  	_ =	shalt  }
0x44: {  	_ =	shalt  }
0x45: {  	_ =	shalt  }
0x46: {  	_ =	shalt  }
0x47: {  	_ =	shalt  }
0x48: {  	_ =	shalt  }
0x49: {  	_ =	shalt  }
0x4a: {  	_ =	shalt  }
0x4b: {  	_ =	shalt  }
0x4c: {  	_ =	shalt  }
0x4d: {  	_ =	shalt  }
0x4e: {  	_ =	shalt  }
0x4f: {  	_ =	shalt  }
0x50: {  	_ =	shalt  }
0x51: {  	_ =	shalt  }
0x52: {  	_ =	shalt  }
0x53: {  	_ =	shalt  }
0x54: {  	_ =	shalt  }
0x55: {  	_ =	shalt  }
0x56: {  	_ =	shalt  }
0x57: {  	_ =	shalt  }
0x58: {  	_ =	shalt  }
0x59: {  	_ =	shalt  }
0x5a: {  	_ =	shalt  }
0x5b: {  	_ =	shalt  }
0x5c: {  	_ =	shalt  }
0x5d: {  	_ =	shalt  }
0x5e: {  	_ =	shalt  }
0x5f: {  	_ =	shalt  }
0x60: {  	_ =	shalt  }
0x61: {  	_ =	shalt  }
0x62: {  	_ =	shalt  }
0x63: {  	_ =	shalt  }
0x64: {  	_ =	shalt  }
0x65: {  	_ =	shalt  }
0x66: {  	_ =	shalt  }
0x67: {  	_ =	shalt  }
0x68: {  	_ =	shalt  }
0x69: {  	_ =	shalt  }
0x6a: {  	_ =	shalt  }
0x6b: {  	_ =	shalt  }
0x6c: {  	_ =	shalt  }
0x6d: {  	_ =	shalt  }
0x6e: {  	_ =	shalt  }
0x6f: {  	_ =	shalt  }
0x70: {  	_ =	shalt  }
0x71: {  	_ =	shalt  }
0x72: {  	_ =	shalt  }
0x73: {  	_ =	shalt  }
0x74: {  	_ =	shalt  }
0x75: {  	_ =	shalt  }
0x76: {  	_ =	shalt  }
0x77: {  	_ =	shalt  }
0x78: {  	_ =	shalt  }
0x79: {  	_ =	shalt  }
0x7a: {  	_ =	shalt  }
0x7b: {  	_ =	shalt  }
0x7c: {  	_ =	shalt  }
0x7d: {  	_ =	shalt  }
0x7e: {  	_ =	shalt  }
0x7f: {  	_ =	shalt  }
0x80: {  	_ =	shalt  }
0x81: {  	_ =	shalt  }
0x82: {  	_ =	shalt  }
0x83: {  	_ =	shalt  }
0x84: {  	_ =	shalt  }
0x85: {  	_ =	shalt  }
0x86: {  	_ =	shalt  }
0x87: {  	_ =	shalt  }
.Lfunc_end0:
.L_simem_size_0:
called_computation.2_lowered:
.L_overlay_start_0:
0x88: {  	s2 =	sld [smem:$0x3FD9]  }
0x89: {  	s3 =	sld [smem:$0x3FFE];
	_ =	sdelay $0x1  }
0x8a: {  	s1 =	srdreg.scid  }
0x8b: {  	s0 =	sand.u32 $0x1, s1  }
0x8c: {  	s17 =	sshll.u32 s0, $0xA;
	s2 =	sadd.s32 s3, s2  }
0x8d: {  	s2 =	sadd.s32 s2, s17  }
0x8e: {  	[smem:$0x3FC2] =	sst s2  }
0x8f: {  	_ = 	snop  }
0x90: {  	s2 =	sld [smem:$0x3FD0];
	(tm) =	ssettm $0x1  }
0x91: {  	s18 =	sld [smem:$0x3FFB];
	_ =	sdelay $0x3  }
0x92: {  	_ =	strace s18  }
0x93: {  	s3 =	sld [smem:$0x3FFC];
	_ =	sdelay $0x3  }
0x94: {  	_ =	strace s3  }
0x95: {  	s3 =	sld [smem:$0x3FFD];
	_ =	sdelay $0x3  }
0x96: {  	_ =	strace s3  }
0x97: {  	_ =	strace $0x8FFFFFFF  }
0x98: {  	s19 =	sld [smem:$0x3FDB];
	_ =	sdelay $0x1  }
0x99: {  	s4 =	simm.s32 $_scs_section_size  }
0x9a: {  	s5 =	simm.s32 $_size__tile_overlayer_lowered;
	s6 =	simm.s32 $_tile_overlayer_lowered  }
0x9b: {  	s22 =	simm.s32 $0x1BFF;
	s21 =	sshll.u32 s6, $0x1;
	s3 =	sadd.s32 s4, s19  }
0x9c: {  	s7 =	simm.s32 $0x0;
	s20 =	sshll.u32 s5, $0x1;
	s5 =	sadd.s32 s21, s3  }
0x9d: {  	[timem:s7], [sflag:s22] =	dma.local [hbm:s5], s20  }
0x9e: {  	_ =	swait.ge [sflag:s22], s20  }
0x9f: {  	s4 =	ssub.s32 $0x0, s20;
	[sflag:s22] =	ssyncset.done $0x0  }
0xa0: {  	[sflag:s22] =	ssyncadd.s32 s4;
	_ =	sdelay $0x1  }
0xa1: {  	s23 =	simm.s32 $0x1B8B  }
0xa2: {  	_ =	swait.ge [sflag:s23], $0x1  }
0xa3: {  	[sflag:s23] =	ssyncset.done $0x0  }
0xa4: {  	s25 =	simm.s32 $0x1B8E;
	s24 =	sld [smem:$0x3FFE];
	[sflag:s23] =	ssyncadd.s32 $0xFFFFFFFF  }
0xa5: {  	s26 =	simm.s32 $execute0_lowered;
	[smem:$0x3FD2] =	sst s25  }
0xa6: {  	s5 =	sshll.u32 s26, $0x1;
	_ =	strace $0x8000004C;
	[dreg:$0x1] =	wrdreg $0xFFFFFFFF  }
0xa7: {  	s28 =	simm.s32 $_size_execute0_lowered;
	s3 =	sadd.s32 s3, s5;
	[dreg:$0x0] =	wrdreg $0x0  }
0xa8: {  	s5 =	sshll.u32 s28, $0x1;
	[dreg:$0x2] =	wrdreg s3  }
0xa9: {  	[dreg:$0x3] =	wrdreg s5  }
0xaa: {  	[dreg:$0x4] =	wrdreg $0xC0  }
0xab: {  	_ =	task [dreg:s7], $0x5FFFF  }
0xac: {  	[dreg:$0x1] =	wrdreg $0xFFFFFFFF  }
0xad: {  	[dreg:$0x0] =	wrdreg $0x60  }
0xae: {  	[dreg:$0x2] =	wrdreg s24  }
0xaf: {  	[dreg:$0x3] =	wrdreg s2  }
0xb0: {  	[dreg:$0x4] =	wrdreg $0x6F400  }
0xb1: {  	[dreg:$0x5] =	wrdreg $0x9  }
0xb2: {  	_ =	task.clear_ibuf [dreg:s7], $0x6FFFF;
	_ =	strace $0x9000004C  }
0xb3: {  	s29 =	simm.s32 $0x9;
	_ =	strace $0x8000004E  }
0xb4: {  	_ =	swait.ge [sflag:s29], $0x1  }
0xb5: {  	[sflag:s29] =	ssyncadd.s32 $0xFFFFFFFF  }
0xb6: {  	_ =	strace $0x9000004E  }
0xb7: {  	_ =	sfence  }
0xb8: {  	s30 =	sld [smem:$0x0];
	_ =	sdelay $0x2  }
0xb9: {  	s31 =	sshll.u32 s1, $0xD;
	s1 =	sshrl.u32 s1, $0x2  }
0xba: {  	s3 =	sand.u32 $0x4000, s31;
	s1 =	sadd.s32 s1, s30  }
0xbb: {  	s0 =	sor.u32 s3, s0;
	s1 =	sshll.u32 s1, $0x11  }
0xbc: {  	s0 =	sor.u32 s1, s0  }
0xbd: {  	s0 =	sadd.s32 $0x8F2B, s0  }
0xbe: {  	[sflag:s0] =	ssyncadd.remote.s32 $0x1  }
0xbf: {  	_ =	sfence.sel $0xFFFF  }
0xc0: {  	[dreg:$0x0] =	wrdreg $0xFFFFFFFF;
	(pc) =	sbr.abs _section_cstart, $3  }
0xc1: {  	[dreg:$0x1] =	wrdreg $0xFFFFFFFF  }
0xc2: {  	_ =	task.clear_ibuf [dreg:s7], $0x2FFFF;
	_ =	strace $0x9FFFFFFF  }
0xc3: {  	(tm) =	ssettm $0x7FFFFFFF  }
tec
execute0_lowered:
.L_overlay_start_1:
0x0: {  	(tag) =	ssettag $0x1  }
0x1: {  	s0 =	rddreg [dreg:$0x0];
	s1 =	srdreg.scid  }
0x2: {  	s8 =	stileid.u32;
	s3 =	rddreg [dreg:$0x2];
	s4 =	simm.s32 $0x0  }
0x3: {  	s12 =	simm.s32 $0x9;
	s13 =	simm.s32 $0x2800;
	s14 =	simm.s32 $0x7D  }
0x4: {  	s15 =	simm.s32 $0x5000;
	s17 =	simm.s32 $0x57D0;
	s19 =	simm.s32 $0x5FA0  }
0x5: {  	s20 =	simm.s32 $0x1;
	s22 =	simm.s32 $0x6770;
	s23 =	simm.s32 $0x2  }
0x6: {  	s25 =	simm.s32 $0x5;
	s28 =	simm.s32 $0x3;
	s5 =	smul.u32 $0x2800, s8  }
0x7: {  	s30 =	simm.s32 $0x6;
	s1 =	sand.u32 $0x1, s1;
	s6 =	smul.u32 $0x2740, s8  }
0x8: {  	s18 =	simm.s32 $0x8;
	s21 =	simm.s32 $0x0;
	s2 =	smul.u32 $0x28000, s1  }
0x9: {  	[smem:$0x7FF] =	sst s4;
	s7 =	smul.u32 $0x27400, s1;
	s1 =	ssub.s32 $0x2, s1  }
0xa: {  	s8 =	sshll.u32 s8, $0x6;
	_ =	strace $0x8000004D;
	s31 =	sshrl.u32 s1, $0x1  }
0xb: {  	s11 =	sadd.s32 s6, s3;
	s2 =	sadd.s32 s5, s2;
	s5 =	sadd.s32 $0x16A00, s0  }
.Ltmp0:
0xc: {  	s7 =	sadd.s32 s6, s7;
	s1 =	ssub.s32 s1, s31;
	(pc) =	sbr.rel .LBB2_1-.Ltmp0, $4  }
0xd: {  	s6 =	sor.u32 $0x1C09, s8;
	s11 =	sshrl.u32 s11, $0x3;
	s2 =	sshrl.u32 s2, $0x3  }
0xe: {  	s7 =	sshrl.u32 s7, $0x3;
	s10 =	smax.u32 s1, $0x1;
	s2 =	sadd.s32 s2, s0  }
0xf: {  	s1 =	simm.s32 $0x4;
	s0 =	sadd.s32 s7, s0;
	s7 =	sadd.s32 $0x2A00, s2  }
0x10: {  	s8 =	sadd.s32 $0xCA00, s2;
	s9 =	sadd.s32 $0x1BA00, s0;
	s2 =	simm.s32 $0x7  }
.LBB2_4:
0x11: {  	_ =	swait.ge [sflag:s25], $0x7D0  }
0x12: {  	[sflag:s25] =	ssyncset.done $0x0  }
0x13: {  	[sflag:s25] =	ssyncadd.s32 $0xFFFFF830  }
0x14: {  	_ =	swait.ge [sflag:s30], $0x7D0  }
0x15: {  	[sflag:s30] =	ssyncset.done $0x0  }
0x16: {  	[sflag:s30] =	ssyncadd.s32 $0xFFFFF830  }
0x17: {  	_ =	swait.ge [sflag:s2], $0x7D0  }
0x18: {  	[sflag:s2] =	ssyncset.done $0x0  }
0x19: {  	[sflag:s2] =	ssyncadd.s32 $0xFFFFF830  }
0x1a: {  	_ =	swait.ge [sflag:s18], $0x7D0  }
0x1b: {  	s21 =	sadd.s32 $0x1, s21;
	[sflag:s18] =	ssyncset.done $0x0  }
0x1c: {  	p0 =	sne.s32 s21, s10;
	[sflag:s18] =	ssyncadd.s32 $0xFFFFF830  }
.Ltmp1:
0x1d: {  	[bflag:$0x0] =	sbarrier.arrive $0xFFFF;
	(pc) =	sbr.rel @!p0 .LBB2_5-.Ltmp1, $4  }
0x1e: {  	[hbm:s9], [sflag:s6] =	dma.local [spmem:s11], $0x4E8  }
0x1f: {  	_ =	swait.ge [sflag:s12], $0x4E8  }
0x20: {  	[sflag:s12] =	ssyncset.done $0x0  }
0x21: {  	[sflag:s12] =	ssyncadd.s32 $0xFFFFFB18  }
.LBB2_1:
0x22: {  	s0 =	rddreg [dreg:$0x1]  }
0x23: {  	[spmem:s11], [sflag:s6] =	dma.local [hbm:s0], $0x4E8  }
0x24: {  	_ =	swait.ge [sflag:s12], $0x4E8  }
0x25: {  	[sflag:s12] =	ssyncset.done $0x0  }
0x26: {  	[sflag:s12] =	ssyncadd.s32 $0xFFFFFB18  }
0x27: {  	[tilespmem:s4], [sflag:$0x9] =	stream.linear.gather [hbm4b:s7+s4], $0x2800, $0x38;
	[tilespmem:$0x9680] =	vst v63  }
0x28: {  	_ =	swait.ge [sflag:s12], $0x2800  }
0x29: {  	[sflag:s12] =	ssyncset.done $0x0  }
0x2a: {  	[sflag:s12] =	ssyncadd.s32 $0xFFFFD800  }
0x2b: {  	[tilespmem:s13], [sflag:$0x9] =	stream.linear.gather [hbm4b:s8+s4], $0x2800, $0x38;
	[tilespmem:$0x9680] =	vst v63  }
0x2c: {  	_ =	swait.ge [sflag:s12], $0x2800  }
0x2d: {  	[sflag:s12] =	ssyncset.done $0x0  }
0x2e: {  	[sflag:s12] =	ssyncadd.s32 $0xFFFFD800  }
0x2f: {  	[bflag:$0x0] =	sbarrier.arrive $0xFFFF  }
0x30: {  	[tilespmem:s15], [sflag:$0x1] =	stream.indirect.gather [hbm4b:s5+s14], $0x10, s4, s14, $0xb8;
	[tilespmem:$0x9680] =	vst v63  }
0x31: {  	s24 =	simm.s32 $0x80  }
0x32: {  	[tilespmem:s17], [sflag:$0x2] =	stream.indirect.gather [hbm4b:s5+s14], $0x10, s24, s14, $0xb8;
	[tilespmem:$0x9680] =	vst v63  }
0x33: {  	s26 =	simm.s32 $0x100  }
0x34: {  	[tilespmem:s19], [sflag:$0x3] =	stream.indirect.gather [hbm4b:s5+s14], $0x10, s26, s14, $0xb8;
	[tilespmem:$0x9680] =	vst v63  }
0x35: {  	_ =	swait.ge [sflag:s20], $0x7D0  }
0x36: {  	[sflag:s20] =	ssyncset.done $0x0  }
0x37: {  	[sflag:s20] =	ssyncadd.s32 $0xFFFFF830  }
0x38: {  	[spmem:s3] =	stream.indirect.scatter.add.f32 [tilespmem:s15], [sflag:$0x5], $0x10, s13, s14, $0xb8;
	[tilespmem:$0x9680] =	vst v63  }
0x39: {  	s29 =	simm.s32 $0x180  }
0x3a: {  	[tilespmem:s22], [sflag:$0x4] =	stream.indirect.gather [hbm4b:s5+s14], $0x10, s29, s14, $0xb8;
	[tilespmem:$0x9680] =	vst v63  }
0x3b: {  	_ =	swait.ge [sflag:s23], $0x7D0  }
0x3c: {  	[sflag:s23] =	ssyncset.done $0x0  }
0x3d: {  	s31 =	simm.s32 $0x2880;
	[sflag:s23] =	ssyncadd.s32 $0xFFFFF830  }
0x3e: {  	[spmem:s3] =	stream.indirect.scatter.add.f32 [tilespmem:s17], [sflag:$0x6], $0x10, s31, s14, $0xb8;
	[tilespmem:$0x9680] =	vst v63  }
0x3f: {  	_ =	swait.ge [sflag:s25], $0x7D0  }
0x40: {  	[sflag:s25] =	ssyncset.done $0x0  }
0x41: {  	s16 =	simm.s32 $0x200;
	[sflag:s25] =	ssyncadd.s32 $0xFFFFF830  }
0x42: {  	[tilespmem:s15], [sflag:$0x1] =	stream.indirect.gather [hbm4b:s5+s14], $0x10, s16, s14, $0xb8;
	[tilespmem:$0x9680] =	vst v63  }
0x43: {  	_ =	swait.ge [sflag:s28], $0x7D0  }
0x44: {  	[sflag:s28] =	ssyncset.done $0x0  }
0x45: {  	s24 =	simm.s32 $0x2900;
	[sflag:s28] =	ssyncadd.s32 $0xFFFFF830  }
0x46: {  	[spmem:s3] =	stream.indirect.scatter.add.f32 [tilespmem:s19], [sflag:$0x7], $0x10, s24, s14, $0xb8;
	[tilespmem:$0x9680] =	vst v63  }
0x47: {  	_ =	swait.ge [sflag:s30], $0x7D0  }
0x48: {  	[sflag:s30] =	ssyncset.done $0x0  }
0x49: {  	s26 =	simm.s32 $0x280;
	[sflag:s30] =	ssyncadd.s32 $0xFFFFF830  }
0x4a: {  	[tilespmem:s17], [sflag:$0x2] =	stream.indirect.gather [hbm4b:s5+s14], $0x10, s26, s14, $0xb8;
	[tilespmem:$0x9680] =	vst v63  }
0x4b: {  	_ =	swait.ge [sflag:s1], $0x7D0  }
0x4c: {  	[sflag:s1] =	ssyncset.done $0x0  }
0x4d: {  	s29 =	simm.s32 $0x2980;
	[sflag:s1] =	ssyncadd.s32 $0xFFFFF830  }
0x4e: {  	[spmem:s3] =	stream.indirect.scatter.add.f32 [tilespmem:s22], [sflag:$0x8], $0x10, s29, s14, $0xb8;
	[tilespmem:$0x9680] =	vst v63  }
0x4f: {  	_ =	swait.ge [sflag:s2], $0x7D0  }
0x50: {  	[sflag:s2] =	ssyncset.done $0x0  }
0x51: {  	s31 =	simm.s32 $0x300;
	s24 =	simm.s32 $0x0;
	[sflag:s2] =	ssyncadd.s32 $0xFFFFF830  }
0x52: {  	[tilespmem:s19], [sflag:$0x3] =	stream.indirect.gather [hbm4b:s5+s14], $0x10, s31, s14, $0xb8;
	[tilespmem:$0x9680] =	vst v63  }
.LBB2_2:
0x53: {  	_ =	swait.ge [sflag:s20], $0x7D0  }
0x54: {  	s26 =	sshra.s32 s24, $0x2;
	[sflag:s20] =	ssyncset.done $0x0  }
0x55: {  	s29 =	sadd.s32 $0x2A00, s26;
	[sflag:s20] =	ssyncadd.s32 $0xFFFFF830  }
0x56: {  	[spmem:s3] =	stream.indirect.scatter.add.f32 [tilespmem:s15], [sflag:$0x5], $0x10, s29, s14, $0xb8;
	[tilespmem:$0x9680] =	vst v63  }
0x57: {  	_ =	swait.ge [sflag:s18], $0x7D0  }
0x58: {  	[sflag:s18] =	ssyncset.done $0x0  }
0x59: {  	s0 =	sadd.s32 $0x380, s26;
	[sflag:s18] =	ssyncadd.s32 $0xFFFFF830  }
0x5a: {  	[tilespmem:s22], [sflag:$0x4] =	stream.indirect.gather [hbm4b:s5+s14], $0x10, s0, s14, $0xb8;
	[tilespmem:$0x9680] =	vst v63  }
0x5b: {  	_ =	swait.ge [sflag:s23], $0x7D0  }
0x5c: {  	p0 =	seq.s32 s24, $0x9000;
	[sflag:s23] =	ssyncset.done $0x0  }
0x5d: {  	s16 =	sadd.s32 $0x2A80, s26;
	s29 =	simm.s32 @p0 $0x3;
	[sflag:s23] =	ssyncadd.s32 $0xFFFFF830  }
0x5e: {  	[spmem:s3] =	stream.indirect.scatter.add.f32 [tilespmem:s17], [sflag:$0x6], $0x10, s16, s14, $0xb8;
	[tilespmem:$0x9680] =	vst v63  }
0x5f: {  	_ =	swait.ge @p0 [sflag:s29], $0x7D0  }
0x60: {  	[sflag:s29] =	ssyncset.done @p0 $0x0  }
0x61: {  	[sflag:s29] =	ssyncadd.s32 @p0 $0xFFFFF830;
	s29 =	sshra.s32 @p0 s24, $0x2  }
0x62: {  	s31 =	simm.s32 @p0 $0x7D;
	s0 =	simm.s32 @p0 $0x5FA0;
	s29 =	sadd.s32 @p0 $0x2B00, s29  }
0x63: {  	[spmem:s3] =	stream.indirect.scatter.add.f32 @p0 [tilespmem:s0], [sflag:$0x7], $0x10, s29, s31, $0xb8;
	[tilespmem:$0x9680] =	vst v63  }
0x64: {  	s0 =	simm.s32 @!p0 $0x5  }
0x65: {  	_ =	swait.ge @!p0 [sflag:s0], $0x7D0  }
0x66: {  	[sflag:s0] =	ssyncset.done @!p0 $0x0  }
0x67: {  	[sflag:s0] =	ssyncadd.s32 @!p0 $0xFFFFF830;
	s0 =	sshra.s32 @!p0 s24, $0x2  }
0x68: {  	s16 =	simm.s32 @!p0 $0x5000;
	s31 =	simm.s32 @!p0 $0x7D;
	s29 =	sadd.s32 @!p0 $0x400, s0  }
0x69: {  	[tilespmem:s16], [sflag:$0x1] =	stream.indirect.gather @!p0 [hbm4b:s5+s31], $0x10, s29, s31, $0xb8;
	[tilespmem:$0x9680] =	vst v63  }
0x6a: {  	s16 =	simm.s32 @!p0 $0x3  }
0x6b: {  	_ =	swait.ge @!p0 [sflag:s16], $0x7D0  }
0x6c: {  	[sflag:s16] =	ssyncset.done @!p0 $0x0  }
0x6d: {  	s29 =	simm.s32 @!p0 $0x5FA0;
	[sflag:s16] =	ssyncadd.s32 @!p0 $0xFFFFF830;
	s16 =	sadd.s32 @!p0 $0x2B00, s0  }
0x6e: {  	[spmem:s3] =	stream.indirect.scatter.add.f32 @!p0 [tilespmem:s29], [sflag:$0x7], $0x10, s16, s31, $0xb8;
	[tilespmem:$0x9680] =	vst v63  }
0x6f: {  	s16 =	simm.s32 @!p0 $0x6  }
0x70: {  	_ =	swait.ge @!p0 [sflag:s16], $0x7D0  }
0x71: {  	[sflag:s16] =	ssyncset.done @!p0 $0x0  }
0x72: {  	s0 =	sadd.s32 @!p0 $0x480, s0;
	[sflag:s16] =	ssyncadd.s32 @!p0 $0xFFFFF830;
	s16 =	simm.s32 @!p0 $0x57D0  }
0x73: {  	[tilespmem:s16], [sflag:$0x2] =	stream.indirect.gather @!p0 [hbm4b:s5+s31], $0x10, s0, s31, $0xb8;
	[tilespmem:$0x9680] =	vst v63  }
.Ltmp2:
0x74: {  	_ = 	snop;
	(pc) =	sbr.rel @p0 .LBB2_4-.Ltmp2, $4  }
0x75: {  	_ =	swait.ge [sflag:s1], $0x7D0  }
0x76: {  	[sflag:s1] =	ssyncset.done $0x0  }
0x77: {  	s31 =	sadd.s32 $0x2B80, s26;
	[sflag:s1] =	ssyncadd.s32 $0xFFFFF830  }
0x78: {  	[spmem:s3] =	stream.indirect.scatter.add.f32 [tilespmem:s22], [sflag:$0x8], $0x10, s31, s14, $0xb8;
	[tilespmem:$0x9680] =	vst v63  }
.Ltmp3:
0x79: {  	(pc) =	sbr.rel .LBB2_2-.Ltmp3, $4  }
0x7a: {  	_ =	swait.ge [sflag:s2], $0x7D0  }
0x7b: {  	[sflag:s2] =	ssyncset.done $0x0  }
0x7c: {  	s0 =	sadd.s32 $0x500, s26;
	s24 =	sadd.s32 $0x800, s24;
	[sflag:s2] =	ssyncadd.s32 $0xFFFFF830  }
0x7d: {  	[tilespmem:s19], [sflag:$0x3] =	stream.indirect.gather [hbm4b:s5+s14], $0x10, s0, s14, $0xb8;
	[tilespmem:$0x9680] =	vst v63  }
.LBB2_5:
0x7e: {  	_ =	sfence.sel $0x180000  }
0x7f: {  	[bflag:$0x0] =	sbarrier.arrive $0xFFFF  }
0x80: {  	_ =	strace $0x9000004D  }
0x81: {  	s0 =	stileid.u32;
	[bflag:$0x2] =	sbarrier.arrive $0xFFFF  }
0x82: {  	p0 =	sne.s32 s0, $0x0;
	s0 =	rddreg [dreg:$0x3]  }
0x83: {  	s0 =	sadd.s32 @!p0 $0x100000, s0  }
0x84: {  	[sflag:s0] =	ssyncadd.tile.s32 @!p0 $0x1;
	_ =	shalt  }
.Lfunc_end2:
_tile_overlayer_lowered:
.L_overlay_start_2:
0x85: {  	(tag) =	ssettag $0x2  }
0x86: {  	s0 =	rddreg [dreg:$0x0];
	s2 =	stileid.u32  }
0x87: {  	s1 =	rddreg [dreg:$0x1];
	p0 =	sne.s32 s2, $0x0  }
0x88: {  	s3 =	rddreg [dreg:$0x2];
	[bflag:$0x3] =	sbarrier.arrive $0xFFFF;
	s2 =	simm.s32 @!p0 $0x1C09  }
0x89: {  	[timem:s3], [sflag:s2] =	dma.local @!p0 [hbm:s0], s1  }
0x8a: {  	s0 =	simm.s32 @!p0 $0x9  }
0x8b: {  	_ =	swait.ge @!p0 [sflag:s0], s1  }
0x8c: {  	s1 =	ssub.s32 @!p0 $0x0, s1;
	[sflag:s0] =	ssyncset.done @!p0 $0x0  }
0x8d: {  	[sflag:s0] =	ssyncadd.s32 @!p0 s1  }
0x8e: {  	[bflag:$0x3] =	sbarrier.arrive $0xFFFF  }
0x8f: {  	_ =	shalt  }

// kernel: kernel.8.cloned.1.call-start
scs
__scs_entry_jumppad:
0x0: {  	(pc) =	sbr.rel $0x88, $3  }
0x1: {  	(tag) =	ssettag $0x0;
	lr =	simm.s32 $0x1  }
0x2: {  	[smem:$0x3F9B] =	sst lr;
	_ =	strace $0xD0000000  }
0x3: {  	_ = 	snop  }
0x4: {  	_ = 	snop  }
0x5: {  	_ = 	snop  }
0x6: {  	_ = 	snop  }
0x7: {  	_ = 	snop  }
__scs_overlays_trampoline_lowered:
0x8: {  	[smem:$0x3FAA] =	sst s0  }
0x9: {  	[smem:$0x3FAB] =	sst s1  }
0xa: {  	[smem:$0x3FAC] =	sst s2  }
0xb: {  	[smem:$0x3FAD] =	sst s3  }
0xc: {  	[smem:$0x3FAE] =	sst s4  }
0xd: {  	[smem:$0x3FAF] =	sst s5  }
0xe: {  	[smem:$0x3FB0] =	sst s6  }
0xf: {  	[smem:$0x3FB1] =	sst s7  }
0x10: {  	[smem:$0x3FB2] =	sst s8  }
0x11: {  	[smem:$0x3FB3] =	sst s9;
	s0 =	simm.s32 @!p0 $0x0  }
0x12: {  	s1 =	sld [smem:$0x3F99];
	s0 =	simm.s32 @p0 $0x1  }
0x13: {  	[smem:$0x3FB4] =	sst s0;
	s0 =	simm.s32 @!p1 $0x0  }
0x14: {  	s2 =	sld [smem:$0x3F98];
	s0 =	simm.s32 @p1 $0x1  }
0x15: {  	[smem:$0x3FB5] =	sst s0;
	s0 =	simm.s32 @!p2 $0x0  }
0x16: {  	s3 =	sld [smem:$0x3FDB];
	s0 =	simm.s32 @p2 $0x1  }
0x17: {  	s4 =	simm.s32 $0x1BF5;
	[smem:$0x3FB7] =	sst s0  }
0x18: {  	s0 =	sld [smem:$0x3F9A];
	_ =	swait.ge [sflag:s4], $0x0  }
0x19: {  	s7 =	sld [smem:$0x3F9B]  }
0x1a: {  	s8 =	sadd.s32 $0xFFFFE003, lr  }
0x1b: {  	s9 =	sadd.s32 $0xFFFFFEF7, lr;
	s5 =	simm.s32 $0xFFFFFFFF;
	p2 =	slt.u32 s8, $0xFFFFF086  }
0x1c: {  	p1 =	slt.u32 s9, $0xF7A;
	s5 =	simm.s32 @!p2 $0x0  }
0x1d: {  	s5 =	simm.s32 @p1 $0x1;
	p0 =	seq.s32 s7, s2  }
0x1e: {  	s7 =	smul.u32 @!p0 $0xF7A, s2;
	p2 =	seq.s32 @!p0 s5, $0x0  }
0x1f: {  	s9 =	smul.u32 $0xF7A, s1;
	s8 =	simm.s32 @!p0 $0x1BF5;
	p2 =	por !p2, p0  }
0x20: {  	[sflag:s8] =	ssyncset.s32 @!p0 $0xFFFFF086;
	s6 =	sadd.s32 @!p0 s3, s7;
	s7 =	simm.s32 @!p0 $0x108  }
0x21: {  	s3 =	sadd.s32 s3, s9;
	s6 =	sadd.s32 @!p0 $0x88, s6;
	s7 =	simm.s32 @p2 $0x1082  }
0x22: {  	[simem:s7], [sflag:s8] =	dma.local @!p0 [hbm:s6], $0xF7A  }
0x23: {  	s9 =	sor.u32 $0xD0000000, s2;
	s6 =	simm.s32 $0x108;
	_ =	swait.ge @!p0 [sflag:s8], $0x0  }
0x24: {  	s3 =	sadd.s32 $0x88, s3;
	s6 =	simm.s32 @!p1 $0x1082;
	[sflag:s4] =	ssyncset.s32 $0xFFFFF086  }
0x25: {  	[simem:s6], [sflag:s4] =	dma.local [hbm:s3], $0xF7A  }
0x26: {  	[smem:$0x3F9B] =	sst s1;
	(tag) =	ssettag s2;
	_ =	strace s9  }
0x27: {  	s1 =	sld [smem:$0x3FAB]  }
0x28: {  	s2 =	sld [smem:$0x3FAC]  }
0x29: {  	s4 =	sld [smem:$0x3FAE]  }
0x2a: {  	p0 =	seq.s32 s5, $0x0;
	s5 =	sld [smem:$0x3FAF]  }
0x2b: {  	s6 =	sld [smem:$0x3FB0]  }
0x2c: {  	s7 =	sld [smem:$0x3FB1]  }
0x2d: {  	s3 =	simm.s32 $0x108;
	s8 =	sld [smem:$0x3FB2]  }
0x2e: {  	s3 =	simm.s32 @!p0 $0x1082;
	s9 =	sld [smem:$0x3FB3]  }
0x2f: {  	lr =	sadd.s32 s0, s3;
	s0 =	sld [smem:$0x3FAA]  }
0x30: {  	s3 =	sld [smem:$0x3FAD]  }
0x31: {  	[smem:$0x3FB6] =	sst s10  }
0x32: {  	s10 =	sld [smem:$0x3FB4];
	_ =	sdelay $0x3  }
0x33: {  	p0 =	seq.s32 s10, $0x1;
	s10 =	sld [smem:$0x3FB6];
	_ =	sdelay $0x3  }
0x34: {  	[smem:$0x3FB6] =	sst s10  }
0x35: {  	s10 =	sld [smem:$0x3FB5];
	_ =	sdelay $0x3  }
0x36: {  	p1 =	seq.s32 s10, $0x1;
	s10 =	sld [smem:$0x3FB6];
	_ =	sdelay $0x3  }
0x37: {  	[smem:$0x3FB6] =	sst s10  }
0x38: {  	s10 =	sld [smem:$0x3FB7]  }
0x39: {  	_ = 	snop;
	(pc) =	sbr.ind lr, $3  }
0x3a: {  	_ = 	snop  }
0x3b: {  	_ = 	snop  }
0x3c: {  	p2 =	seq.s32 s10, $0x1;
	s10 =	sld [smem:$0x3FB6]  }
0x3d: {  	_ =	shalt  }
0x3e: {  	_ =	shalt  }
0x3f: {  	_ =	shalt  }
0x40: {  	_ =	shalt  }
0x41: {  	_ =	shalt  }
0x42: {  	_ =	shalt  }
0x43: {  	_ =	shalt  }
0x44: {  	_ =	shalt  }
0x45: {  	_ =	shalt  }
0x46: {  	_ =	shalt  }
0x47: {  	_ =	shalt  }
0x48: {  	_ =	shalt  }
0x49: {  	_ =	shalt  }
0x4a: {  	_ =	shalt  }
0x4b: {  	_ =	shalt  }
0x4c: {  	_ =	shalt  }
0x4d: {  	_ =	shalt  }
0x4e: {  	_ =	shalt  }
0x4f: {  	_ =	shalt  }
0x50: {  	_ =	shalt  }
0x51: {  	_ =	shalt  }
0x52: {  	_ =	shalt  }
0x53: {  	_ =	shalt  }
0x54: {  	_ =	shalt  }
0x55: {  	_ =	shalt  }
0x56: {  	_ =	shalt  }
0x57: {  	_ =	shalt  }
0x58: {  	_ =	shalt  }
0x59: {  	_ =	shalt  }
0x5a: {  	_ =	shalt  }
0x5b: {  	_ =	shalt  }
0x5c: {  	_ =	shalt  }
0x5d: {  	_ =	shalt  }
0x5e: {  	_ =	shalt  }
0x5f: {  	_ =	shalt  }
0x60: {  	_ =	shalt  }
0x61: {  	_ =	shalt  }
0x62: {  	_ =	shalt  }
0x63: {  	_ =	shalt  }
0x64: {  	_ =	shalt  }
0x65: {  	_ =	shalt  }
0x66: {  	_ =	shalt  }
0x67: {  	_ =	shalt  }
0x68: {  	_ =	shalt  }
0x69: {  	_ =	shalt  }
0x6a: {  	_ =	shalt  }
0x6b: {  	_ =	shalt  }
0x6c: {  	_ =	shalt  }
0x6d: {  	_ =	shalt  }
0x6e: {  	_ =	shalt  }
0x6f: {  	_ =	shalt  }
0x70: {  	_ =	shalt  }
0x71: {  	_ =	shalt  }
0x72: {  	_ =	shalt  }
0x73: {  	_ =	shalt  }
0x74: {  	_ =	shalt  }
0x75: {  	_ =	shalt  }
0x76: {  	_ =	shalt  }
0x77: {  	_ =	shalt  }
0x78: {  	_ =	shalt  }
0x79: {  	_ =	shalt  }
0x7a: {  	_ =	shalt  }
0x7b: {  	_ =	shalt  }
0x7c: {  	_ =	shalt  }
0x7d: {  	_ =	shalt  }
0x7e: {  	_ =	shalt  }
0x7f: {  	_ =	shalt  }
0x80: {  	_ =	shalt  }
0x81: {  	_ =	shalt  }
0x82: {  	_ =	shalt  }
0x83: {  	_ =	shalt  }
0x84: {  	_ =	shalt  }
0x85: {  	_ =	shalt  }
0x86: {  	_ =	shalt  }
0x87: {  	_ =	shalt  }
.Lfunc_end0:
.L_simem_size_0:
called_computation_lowered:
.L_overlay_start_0:
0x88: {  	s2 =	sld [smem:$0x3FD9]  }
0x89: {  	s3 =	sld [smem:$0x3FFE];
	_ =	sdelay $0x1  }
0x8a: {  	s1 =	srdreg.scid  }
0x8b: {  	s0 =	sand.u32 $0x1, s1  }
0x8c: {  	s17 =	sshll.u32 s0, $0xA;
	s2 =	sadd.s32 s3, s2  }
0x8d: {  	s2 =	sadd.s32 s2, s17  }
0x8e: {  	[smem:$0x3FC2] =	sst s2  }
0x8f: {  	_ = 	snop  }
0x90: {  	s2 =	sld [smem:$0x3FD0];
	(tm) =	ssettm $0x1  }
0x91: {  	s18 =	sld [smem:$0x3FFB];
	_ =	sdelay $0x3  }
0x92: {  	_ =	strace s18  }
0x93: {  	s3 =	sld [smem:$0x3FFC];
	_ =	sdelay $0x3  }
0x94: {  	_ =	strace s3  }
0x95: {  	s3 =	sld [smem:$0x3FFD];
	_ =	sdelay $0x3  }
0x96: {  	_ =	strace s3  }
0x97: {  	_ =	strace $0x8FFFFFFF  }
0x98: {  	s19 =	sld [smem:$0x3FDB];
	_ =	sdelay $0x1  }
0x99: {  	s4 =	simm.s32 $_scs_section_size  }
0x9a: {  	s5 =	simm.s32 $_size__tile_overlayer_lowered;
	s6 =	simm.s32 $_tile_overlayer_lowered  }
0x9b: {  	s22 =	simm.s32 $0x1BFF;
	s21 =	sshll.u32 s6, $0x1;
	s3 =	sadd.s32 s4, s19  }
0x9c: {  	s7 =	simm.s32 $0x0;
	s20 =	sshll.u32 s5, $0x1;
	s5 =	sadd.s32 s21, s3  }
0x9d: {  	[timem:s7], [sflag:s22] =	dma.local [hbm:s5], s20  }
0x9e: {  	_ =	swait.ge [sflag:s22], s20  }
0x9f: {  	s4 =	ssub.s32 $0x0, s20;
	[sflag:s22] =	ssyncset.done $0x0  }
0xa0: {  	[sflag:s22] =	ssyncadd.s32 s4;
	_ =	sdelay $0x1  }
0xa1: {  	s23 =	simm.s32 $0x1B8B  }
0xa2: {  	_ =	swait.ge [sflag:s23], $0x1  }
0xa3: {  	[sflag:s23] =	ssyncset.done $0x0  }
0xa4: {  	s25 =	simm.s32 $0x1B8E;
	s24 =	sld [smem:$0x3FFE];
	[sflag:s23] =	ssyncadd.s32 $0xFFFFFFFF  }
0xa5: {  	s26 =	simm.s32 $execute0_lowered;
	[smem:$0x3FD2] =	sst s25  }
0xa6: {  	s5 =	sshll.u32 s26, $0x1;
	_ =	strace $0x80000046;
	[dreg:$0x1] =	wrdreg $0xFFFFFFFF  }
0xa7: {  	s28 =	simm.s32 $_size_execute0_lowered;
	s3 =	sadd.s32 s3, s5;
	[dreg:$0x0] =	wrdreg $0x0  }
0xa8: {  	s5 =	sshll.u32 s28, $0x1;
	[dreg:$0x2] =	wrdreg s3  }
0xa9: {  	[dreg:$0x3] =	wrdreg s5  }
0xaa: {  	[dreg:$0x4] =	wrdreg $0xC0  }
0xab: {  	_ =	task [dreg:s7], $0x5FFFF  }
0xac: {  	[dreg:$0x1] =	wrdreg $0xFFFFFFFF  }
0xad: {  	[dreg:$0x0] =	wrdreg $0x60  }
0xae: {  	[dreg:$0x2] =	wrdreg s24  }
0xaf: {  	[dreg:$0x3] =	wrdreg s2  }
0xb0: {  	[dreg:$0x4] =	wrdreg $0x2FD00  }
0xb1: {  	[dreg:$0x5] =	wrdreg $0x9  }
0xb2: {  	_ =	task.clear_ibuf [dreg:s7], $0x6FFFF;
	_ =	strace $0x90000046  }
0xb3: {  	s29 =	simm.s32 $0x9;
	_ =	strace $0x80000048  }
0xb4: {  	_ =	swait.ge [sflag:s29], $0x1  }
0xb5: {  	[sflag:s29] =	ssyncadd.s32 $0xFFFFFFFF  }
0xb6: {  	_ =	strace $0x90000048  }
0xb7: {  	_ =	sfence  }
0xb8: {  	s30 =	sld [smem:$0x0];
	_ =	sdelay $0x2  }
0xb9: {  	s31 =	sshll.u32 s1, $0xD;
	s1 =	sshrl.u32 s1, $0x2  }
0xba: {  	s3 =	sand.u32 $0x4000, s31;
	s1 =	sadd.s32 s1, s30  }
0xbb: {  	s0 =	sor.u32 s3, s0;
	s1 =	sshll.u32 s1, $0x11  }
0xbc: {  	s0 =	sor.u32 s1, s0  }
0xbd: {  	s0 =	sadd.s32 $0x8F2B, s0  }
0xbe: {  	[sflag:s0] =	ssyncadd.remote.s32 $0x1  }
0xbf: {  	_ =	sfence.sel $0xFFFF  }
0xc0: {  	[dreg:$0x0] =	wrdreg $0xFFFFFFFF;
	(pc) =	sbr.abs _section_cstart, $3  }
0xc1: {  	[dreg:$0x1] =	wrdreg $0xFFFFFFFF  }
0xc2: {  	_ =	task.clear_ibuf [dreg:s7], $0x2FFFF;
	_ =	strace $0x9FFFFFFF  }
0xc3: {  	(tm) =	ssettm $0x7FFFFFFF  }
tec
execute0_lowered:
.L_overlay_start_1:
0x0: {  	(tag) =	ssettag $0x1  }
0x1: {  	s7 =	rddreg [dreg:$0x0]  }
0x2: {  	s2 =	rddreg [dreg:$0x1];
	s1 =	srdreg.scid  }
0x3: {  	s0 =	stileid.u32;
	s3 =	rddreg [dreg:$0x2];
	s4 =	simm.s32 $0x0  }
0x4: {  	s13 =	simm.s32 $0x7D;
	s14 =	simm.s32 $0x1;
	s8 =	smul.u32 $0x2740, s0  }
0x5: {  	s6 =	sand.u32 $0x1, s1;
	s1 =	rddreg [dreg:$0x3];
	s11 =	smul.u32 $0x2800, s0  }
0x6: {  	s15 =	simm.s32 $0x0;
	[smem:$0x7FF] =	sst s4;
	s5 =	smul.u32 $0x27400, s6  }
0x7: {  	s30 =	sshll.u32 s0, $0x6;
	s9 =	smul.u32 $0x28000, s6;
	s6 =	ssub.s32 $0x2, s6  }
0x8: {  	_ =	strace $0x80000047;
	s12 =	sshrl.u32 s6, $0x1;
	s31 =	sadd.s32 s8, s3  }
0x9: {  	s10 =	sadd.s32 s8, s5;
	s5 =	sadd.s32 $0x16A00, s7;
	s9 =	sadd.s32 s9, s11  }
0xa: {  	s29 =	ssub.s32 s6, s12;
	s6 =	sor.u32 $0x1C02, s30;
	s11 =	simm.s32 $0x2  }
0xb: {  	s12 =	simm.s32 $0x2800;
	s10 =	sshrl.u32 s10, $0x3;
	s9 =	sshrl.u32 s9, $0x3  }
0xc: {  	s10 =	sadd.s32 s10, s7;
	s7 =	sadd.s32 s7, s9;
	s9 =	smax.u32 s29, $0x1  }
0xd: {  	s7 =	sadd.s32 $0xCA00, s7;
	s8 =	sadd.s32 $0x16C00, s10;
	s10 =	sshrl.u32 s31, $0x3  }
.LBB2_1:
0xe: {  	[spmem:s10], [sflag:s6] =	dma.local [hbm:s2], $0x4E8  }
0xf: {  	_ =	swait.ge [sflag:s11], $0x4E8  }
0x10: {  	[sflag:s11] =	ssyncset.done $0x0  }
0x11: {  	[sflag:s11] =	ssyncadd.s32 $0xFFFFFB18  }
0x12: {  	[tilespmem:s4], [sflag:$0x2] =	stream.linear.gather [hbm4b:s7+s4], $0x2800, $0x38;
	[tilespmem:$0x5710] =	vst v63  }
0x13: {  	_ =	swait.ge [sflag:s11], $0x2800  }
0x14: {  	[sflag:s11] =	ssyncset.done $0x0  }
0x15: {  	[sflag:s11] =	ssyncadd.s32 $0xFFFFD800  }
0x16: {  	[tilespmem:s12], [sflag:$0x2] =	stream.linear.gather [hbm4b:s5+s4], $0x7D0, $0x38;
	[tilespmem:$0x5710] =	vst v63  }
0x17: {  	_ =	swait.ge [sflag:s11], $0x7D0  }
0x18: {  	[sflag:s11] =	ssyncset.done $0x0  }
0x19: {  	[sflag:s11] =	ssyncadd.s32 $0xFFFFF830  }
0x1a: {  	s16 =	simm.s32 $0x0;
	[bflag:$0x0] =	sbarrier.arrive $0xFFFF  }
.LBB2_2:
0x1b: {  	p0 =	sne.s32 s16, $0x9E00  }
.Ltmp0:
0x1c: {  	_ = 	snop;
	(pc) =	sbr.rel @p0 .LBB2_2-.Ltmp0, $3  }
0x1d: {  	_ =	sdelay $0x1  }
0x1e: {  	s17 =	sshra.s32 s16, $0x2;
	s16 =	sadd.s32 $0x200, s16  }
0x1f: {  	[spmem:s3] =	stream.indirect.scatter.add.f32 [tilespmem:s12], [sflag:$0x1], $0x10, s17, s13, $0xb8;
	[tilespmem:$0x5710] =	vst v63  }
0x20: {  	_ =	swait.ge [sflag:s14], $0x7D0  }
0x21: {  	s16 =	simm.s32 $0x4F;
	[sflag:s14] =	ssyncset.done $0x0  }
.LBB2_4:
0x22: {  	p0 =	sne.s32 s16, $0x1;
	s16 =	sadd.s32 $0xFFFFFFFF, s16;
	[sflag:s14] =	ssyncadd.s32 $0xFFFFF830  }
.Ltmp1:
0x23: {  	(pc) =	sbr.rel @p0 .LBB2_4-.Ltmp1, $3  }
0x24: {  	_ =	sdelay $0x1  }
0x25: {  	_ =	swait.ge [sflag:s14], $0x7D0  }
0x26: {  	[sflag:s14] =	ssyncset.done $0x0  }
0x27: {  	s15 =	sadd.s32 $0x1, s15  }
0x28: {  	[sflag:s14] =	ssyncadd.s32 $0xFFFFF830;
	p0 =	sne.s32 s15, s9  }
.Ltmp2:
0x29: {  	[bflag:$0x0] =	sbarrier.arrive $0xFFFF;
	(pc) =	sbr.rel @p0 .LBB2_1-.Ltmp2, $4  }
0x2a: {  	[hbm:s8], [sflag:s6] =	dma.local [spmem:s10], $0x4E8  }
0x2b: {  	_ =	swait.ge [sflag:s11], $0x4E8  }
0x2c: {  	[sflag:s11] =	ssyncset.done $0x0  }
0x2d: {  	[sflag:s11] =	ssyncadd.s32 $0xFFFFFB18  }
0x2e: {  	_ =	sfence.sel $0x180000  }
0x2f: {  	[bflag:$0x0] =	sbarrier.arrive $0xFFFF  }
0x30: {  	p0 =	sne.s32 s0, $0x0;
	_ =	strace $0x90000047  }
0x31: {  	s0 =	sadd.s32 @!p0 $0x100000, s1;
	[bflag:$0x2] =	sbarrier.arrive $0xFFFF  }
0x32: {  	[sflag:s0] =	ssyncadd.tile.s32 @!p0 $0x1;
	_ =	shalt  }
.Lfunc_end2:
_tile_overlayer_lowered:
.L_overlay_start_2:
0x33: {  	(tag) =	ssettag $0x2  }
0x34: {  	s0 =	rddreg [dreg:$0x0];
	s2 =	stileid.u32  }
0x35: {  	s1 =	rddreg [dreg:$0x1];
	p0 =	sne.s32 s2, $0x0  }
0x36: {  	s3 =	rddreg [dreg:$0x2];
	[bflag:$0x3] =	sbarrier.arrive $0xFFFF;
	s2 =	simm.s32 @!p0 $0x1C02  }
0x37: {  	[timem:s3], [sflag:s2] =	dma.local @!p0 [hbm:s0], s1  }
0x38: {  	s0 =	simm.s32 @!p0 $0x2  }
0x39: {  	_ =	swait.ge @!p0 [sflag:s0], s1  }
0x3a: {  	s1 =	ssub.s32 @!p0 $0x0, s1;
	[sflag:s0] =	ssyncset.done @!p0 $0x0  }
0x3b: {  	[sflag:s0] =	ssyncadd.s32 @!p0 s1  }
0x3c: {  	[bflag:$0x3] =	sbarrier.arrive $0xFFFF  }
0x3d: {  	_ =	shalt  }

</sc_bundles>
